<compile_context>
chip_gen: v7x
topology: tpu7x:2x2x1
jax: 0.10.2.dev20260603
libtpu: 0.0.44.dev20260713+nightly
codegen_flags: <defaults>
</compile_context>

<pallas_src>
import functools

import jax
import jax.numpy as jnp
from jax import lax
from jax.experimental import pallas as pl
from jax.experimental.pallas import tpu as pltpu
from jax.experimental.pallas import tpu_sc as plsc

N = 10000
E = 320000
D = 128
DE = 16

NC = 2
NS = 16
NW = NC * NS

G = 128
GROUPS = E // G
GPW = 80
E_PAD = GPW * NW * G
SUPER = 8
STRIDE = 640


def _mm_pre_node(x, Wmx, bm, Wux):
    BLK = 1000

    def body(x_ref, wm_ref, b_ref, wu_ref, y_ref, z_ref):
        xb = x_ref[...]
        y_ref[...] = jnp.dot(xb, wm_ref[...], preferred_element_type=jnp.float32) + b_ref[...]
        z_ref[...] = jnp.dot(xb, wu_ref[...], preferred_element_type=jnp.float32)

    return pl.pallas_call(
        body,
        grid=(N // BLK,),
        in_specs=[
            pl.BlockSpec((BLK, D), lambda i: (i, 0)),
            pl.BlockSpec((D, D), lambda i: (0, 0)),
            pl.BlockSpec((1, D), lambda i: (0, 0)),
            pl.BlockSpec((D, D), lambda i: (0, 0)),
        ],
        out_specs=[
            pl.BlockSpec((BLK, D), lambda i: (i, 0)),
            pl.BlockSpec((BLK, D), lambda i: (i, 0)),
        ],
        out_shape=[jax.ShapeDtypeStruct((N, D), jnp.float32)] * 2,
    )(x, Wmx, bm.reshape(1, D), Wux)


def _mm_edges(ea, We_b, We_f):
    BLK = 4000

    def body(ea_ref, wb_ref, wf_ref, eb_ref, ef_ref):
        a = ea_ref[...]
        eb_ref[...] = jnp.dot(a, wb_ref[...], preferred_element_type=jnp.float32)
        ef_ref[...] = jnp.dot(a, wf_ref[...], preferred_element_type=jnp.float32)

    return pl.pallas_call(
        body,
        grid=(E // BLK,),
        in_specs=[
            pl.BlockSpec((BLK, DE), lambda i: (i, 0)),
            pl.BlockSpec((DE, D), lambda i: (0, 0)),
            pl.BlockSpec((DE, D), lambda i: (0, 0)),
        ],
        out_specs=[
            pl.BlockSpec((BLK, D), lambda i: (i, 0)),
            pl.BlockSpec((BLK, D), lambda i: (i, 0)),
        ],
        out_shape=[jax.ShapeDtypeStruct((E, D), jnp.float32)] * 2,
    )(ea, We_b, We_f)


def _mm_update(z, agg0, agg1, Wua, bu, Wmx2, bm2, Wux2):
    BLK = 1000

    def body(z_ref, a0_ref, a1_ref, wua_ref, bu_ref, wm_ref, bm_ref, wu_ref,
             y2_ref, z2_ref):
        agg = a0_ref[...] + a1_ref[...]
        h = jnp.maximum(
            z_ref[...] + jnp.dot(agg, wua_ref[...], preferred_element_type=jnp.float32)
            + bu_ref[...], 0.0)
        y2_ref[...] = jnp.dot(h, wm_ref[...], preferred_element_type=jnp.float32) + bm_ref[...]
        z2_ref[...] = jnp.dot(h, wu_ref[...], preferred_element_type=jnp.float32)

    return pl.pallas_call(
        body,
        grid=(N // BLK,),
        in_specs=[
            pl.BlockSpec((BLK, D), lambda i: (i, 0)),
            pl.BlockSpec((BLK, D), lambda i: (i, 0)),
            pl.BlockSpec((BLK, D), lambda i: (i, 0)),
            pl.BlockSpec((D, D), lambda i: (0, 0)),
            pl.BlockSpec((1, D), lambda i: (0, 0)),
            pl.BlockSpec((D, D), lambda i: (0, 0)),
            pl.BlockSpec((1, D), lambda i: (0, 0)),
            pl.BlockSpec((D, D), lambda i: (0, 0)),
        ],
        out_specs=[
            pl.BlockSpec((BLK, D), lambda i: (i, 0)),
            pl.BlockSpec((BLK, D), lambda i: (i, 0)),
        ],
        out_shape=[jax.ShapeDtypeStruct((N, D), jnp.float32)] * 2,
    )(z, agg0, agg1, Wua, bu.reshape(1, D), Wmx2, bm2.reshape(1, D), Wux2)


def _mm_final(z, agg0, agg1, Wua, bu):
    BLK = 1000

    def body(z_ref, a0_ref, a1_ref, wua_ref, bu_ref, o_ref):
        agg = a0_ref[...] + a1_ref[...]
        o_ref[...] = jnp.maximum(
            z_ref[...] + jnp.dot(agg, wua_ref[...], preferred_element_type=jnp.float32)
            + bu_ref[...], 0.0)

    return pl.pallas_call(
        body,
        grid=(N // BLK,),
        in_specs=[
            pl.BlockSpec((BLK, D), lambda i: (i, 0)),
            pl.BlockSpec((BLK, D), lambda i: (i, 0)),
            pl.BlockSpec((BLK, D), lambda i: (i, 0)),
            pl.BlockSpec((D, D), lambda i: (0, 0)),
            pl.BlockSpec((1, D), lambda i: (0, 0)),
        ],
        out_specs=pl.BlockSpec((BLK, D), lambda i: (i, 0)),
        out_shape=jax.ShapeDtypeStruct((N, D), jnp.float32),
    )(z, agg0, agg1, Wua, bu.reshape(1, D))


def _sc_layer(y, src, dst, eb):
    mesh = plsc.VectorSubcoreMesh(core_axis_name="c", subcore_axis_name="s")

    @functools.partial(
        pl.kernel,
        mesh=mesh,
        out_type=jax.ShapeDtypeStruct((NC, N, D), jnp.float32),
        scratch_types=[
            pltpu.VMEM((SUPER, G), jnp.int32),
            pltpu.VMEM((SUPER, G), jnp.int32),
            pltpu.VMEM((G, D), jnp.float32),
            pltpu.VMEM((G, D), jnp.float32),
            pltpu.VMEM_SHARED((N, D), jnp.float32),
            pltpu.SemaphoreType.DMA,
            pltpu.SemaphoreType.DMA,
        ],
    )
    def k(y_hbm, src_hbm, dst_hbm, eb_hbm, out_hbm,
          src_v, dst_v, rows_v, e_v, agg_sh, sem, sem2):
        cid = lax.axis_index("c")
        sid = lax.axis_index("s")
        wid = cid * NS + sid
        g0 = wid * GPW

        def zero_body(i, _):
            for j in range(D // 16):
                e_v[i, pl.ds(j * 16, 16)] = jnp.zeros((16,), jnp.float32)
            return 0
        lax.fori_loop(0, G, zero_body, 0)

        row0 = sid * STRIDE

        @pl.when(sid < NS - 1)
        def _():
            for r in range(STRIDE // G):
                pltpu.sync_copy(e_v, agg_sh.at[pl.ds(row0 + r * G, G)])

        @pl.when(sid == NS - 1)
        def _():
            base = (NS - 1) * STRIDE
            left = N - base
            for r in range(left // G):
                pltpu.sync_copy(e_v, agg_sh.at[pl.ds(base + r * G, G)])
            rem = left % G
            if rem:
                pltpu.sync_copy(e_v.at[pl.ds(0, rem)],
                                agg_sh.at[pl.ds(base + left - rem, rem)])
        plsc.subcore_barrier()

        def super_body(sc, _):
            gbase = g0 + sc * SUPER
            pltpu.sync_copy(src_hbm.at[pl.ds(gbase, SUPER)], src_v)
            pltpu.sync_copy(dst_hbm.at[pl.ds(gbase, SUPER)], dst_v)

            def chunk_body(ci, _):
                g = gbase + ci

                @pl.when(g < GROUPS)
                def _():
                    cp_e = pltpu.async_copy(eb_hbm.at[pl.ds(g * G, G)], e_v, sem2)
                    cp_g = pltpu.async_copy(y_hbm.at[src_v.at[ci]], rows_v, sem)
                    cp_e.wait()
                    cp_g.wait()

                    def edge_body(i, _):
                        for j in range(D // 16):
                            sl = pl.ds(j * 16, 16)
                            rows_v[i, sl] = jnp.maximum(
                                rows_v[i, sl] + e_v[i, sl], 0.0)
                        return 0
                    lax.fori_loop(0, G, edge_body, 0)

                    pltpu.sync_copy(rows_v, agg_sh.at[dst_v.at[ci]], add=True)
                return 0
            lax.fori_loop(0, SUPER, chunk_body, 0)
            return 0
        lax.fori_loop(0, GPW // SUPER, super_body, 0)
        plsc.subcore_barrier()

        @pl.when(sid < NS - 1)
        def _():
            pltpu.sync_copy(agg_sh.at[pl.ds(row0, STRIDE)],
                            out_hbm.at[cid, pl.ds(row0, STRIDE)])

        @pl.when(sid == NS - 1)
        def _():
            base = (NS - 1) * STRIDE
            pltpu.sync_copy(agg_sh.at[pl.ds(base, N - base)],
                            out_hbm.at[cid, pl.ds(base, N - base)])

    return k(y, src.reshape(E_PAD // G, G), dst.reshape(E_PAD // G, G), eb)


def kernel(x, edge_index, edge_attr, Wm_b, bm_b, Wu_b, bu_b, Wm_f, bm_f, Wu_f, bu_f):
    pad = E_PAD - E
    src = jnp.concatenate([edge_index[0], jnp.zeros((pad,), jnp.int32)])
    dst = jnp.concatenate([edge_index[1], jnp.zeros((pad,), jnp.int32)])

    e_b, e_f = _mm_edges(edge_attr, Wm_b[D:], Wm_f[D:])
    y_b, z_b = _mm_pre_node(x, Wm_b[:D], bm_b, Wu_b[:D])
    parts_b = _sc_layer(y_b, src, dst, e_b)
    y_f, z_f = _mm_update(z_b, parts_b[0], parts_b[1], Wu_b[D:], bu_b,
                          Wm_f[:D], bm_f, Wu_f[:D])
    parts_f = _sc_layer(y_f, src, dst, e_f)
    return _mm_final(z_f, parts_f[0], parts_f[1], Wu_f[D:], bu_f)

# --- scband reference (transcript-rebuilt; emitter-appended) ---
"""Pipeline reference for scband-gnn-7224134991965 (READ-ONLY COPY).

The authoritative reference and input builder live on the scoring server;
editing this copy changes nothing except your own understanding.
"""

import jax, jax.numpy as jnp
import numpy as np

N = 10000
E = 320000
D_NODE = 128
D_EDGE = 16
HID = 128
OUT = 128


def _init_w(key, fan_in, fan_out):
    return jax.random.normal(key, (fan_in, fan_out), dtype=jnp.float32) * (1.0 / np.sqrt(fan_in))


def setup_inputs(seed: int = 0) -> dict:
    key = jax.random.key(seed)
    ks = jax.random.split(key, 8)
    x = jax.random.normal(ks[0], (N, D_NODE), dtype=jnp.float32)
    edge_index = jax.random.randint(ks[1], (2, E), 0, N, dtype=jnp.int32)
    edge_attr = jax.random.normal(ks[2], (E, D_EDGE), dtype=jnp.float32)
    # bottleneck layer params: message Linear(in+edge -> hid), update Linear(in+hid -> hid)
    Wm_b = _init_w(ks[3], D_NODE + D_EDGE, HID)
    bm_b = jnp.zeros((HID,), dtype=jnp.float32)
    Wu_b = _init_w(ks[4], D_NODE + HID, HID)
    bu_b = jnp.zeros((HID,), dtype=jnp.float32)
    # final layer params: in_channels = (hid//2)*2 = hid = 128, out = 128
    Wm_f = _init_w(ks[5], HID + D_EDGE, OUT)
    bm_f = jnp.zeros((OUT,), dtype=jnp.float32)
    Wu_f = _init_w(ks[6], HID + OUT, OUT)
    bu_f = jnp.zeros((OUT,), dtype=jnp.float32)
    return {
        "x": x, "edge_index": edge_index, "edge_attr": edge_attr,
        "Wm_b": Wm_b, "bm_b": bm_b, "Wu_b": Wu_b, "bu_b": bu_b,
        "Wm_f": Wm_f, "bm_f": bm_f, "Wu_f": Wu_f, "bu_f": bu_f,
    }


def _custom_graph_layer(x, edge_index, edge_attr, Wm, bm, Wu, bu):
    # message passing: message = relu(Linear([x_src, edge_attr])), aggregate = scatter-add over dst,
    # update = relu(Linear([x, agg]))
    src = edge_index[0]
    dst = edge_index[1]
    x_j = jnp.take(x, src, axis=0)
    m_in = jnp.concatenate([x_j, edge_attr], axis=1)
    msg = jax.nn.relu(m_in @ Wm + bm)
    agg = jnp.zeros((x.shape[0], msg.shape[1]), dtype=msg.dtype).at[dst].add(msg)
    u_in = jnp.concatenate([x, agg], axis=1)
    return jax.nn.relu(u_in @ Wu + bu)


def reference(x, edge_index, edge_attr, Wm_b, bm_b, Wu_b, bu_b, Wm_f, bm_f, Wu_f, bu_f):
    # depth=0 GNN: no down/up convs, just bottleneck followed by final_layer
    h = _custom_graph_layer(x, edge_index, edge_attr, Wm_b, bm_b, Wu_b, bu_b)
    out = _custom_graph_layer(h, edge_index, edge_attr, Wm_f, bm_f, Wu_f, bu_f)
    return out

if __name__ == "__main__":
    import jax
    _d = setup_inputs()
    print(jax.jit(kernel)(*tuple(_d.values())))

</pallas_src>

<mosaic_0001>
#map = affine_map<(d0, d1) -> (0, 0)>
#map1 = affine_map<(d0, d1) -> (0, 0, 0)>
module attributes {stable_mosaic.version = 14 : i64} {
  func.func @k(%arg0: i32, %arg1: i32, %arg2: memref<10000x128xf32, #tpu.memory_space<hbm>>, %arg3: memref<2560x128xi32, #tpu.memory_space<hbm>>, %arg4: memref<2560x128xi32, #tpu.memory_space<hbm>>, %arg5: memref<320000x128xf32, #tpu.memory_space<hbm>>, %arg6: memref<2x10000x128xf32, #tpu.memory_space<hbm>>, %arg7: memref<8x128xi32, #tpu.memory_space<vmem>>, %arg8: memref<8x128xi32, #tpu.memory_space<vmem>>, %arg9: memref<128x128xf32, #tpu.memory_space<vmem>>, %arg10: memref<128x128xf32, #tpu.memory_space<vmem>>, %arg11: memref<10000x128xf32, #tpu.memory_space<vmem_shared>>, %arg12: memref<!tpu.dma_semaphore, #tpu.memory_space<semaphore_mem>>, %arg13: memref<!tpu.dma_semaphore, #tpu.memory_space<semaphore_mem>>) attributes {dimension_semantics = [#tpu.dimension_semantics<core_parallel>, #tpu.dimension_semantics<subcore_parallel>], iteration_bounds = array<i64: 2, 16>, scalar_prefetch = 0 : i64, scratch_operands = 7 : i64, tpu.core_type = #tpu.core_type<sc_vector_subcore>, window_params = [{transform_indices = #map}, {transform_indices = #map}, {transform_indices = #map}, {transform_indices = #map}, {transform_indices = #map1}]} {
    %mul3A = arith.constant 16 : i32
    %mul3A_0 = arith.muli %arg0, %mul3A : i32
    %add3A = arith.addi %mul3A_0, %arg1 : i32
    %mul3A_1 = arith.constant 80 : i32
    %mul3A_2 = arith.muli %add3A, %mul3A_1 : i32
    %scan3A = arith.constant 0 : i32
    %scan3A_3 = arith.constant 0 : i32
    %scan3A_4 = arith.constant 128 : i32
    %scan3A_5 = arith.addi %scan3A_3, %scan3A_4 : i32
    %scan3A_6 = arith.constant 1 : i32
    %scan3A_7 = scf.for %scan3A_35 = %scan3A_3 to %scan3A_5 step %scan3A_6 iter_args(%scan3A_36 = %scan3A) -> (i32)  : i32 {
      %broadcast_in_dim3A = arith.constant 0.000000e+00 : f32
      %broadcast_in_dim3A_37 = vector.broadcast %broadcast_in_dim3A : f32 to vector<16xf32>
      %swap3A = arith.index_cast %scan3A_35 : i32 to index
      %swap3A_38 = arith.constant 0 : index
      %swap3A_39 = tpu.vector_load %arg10[%swap3A, %swap3A_38] {strides = array<i32>} : memref<128x128xf32, #tpu.memory_space<vmem>>, vector<1x16xf32>,
      %swap3A_40 = vector.shape_cast %swap3A_39 : vector<1x16xf32> to vector<16xf32>
      %swap3A_41 = vector.shape_cast %broadcast_in_dim3A_37 : vector<16xf32> to vector<1x16xf32>
      tpu.vector_store %arg10[%swap3A, %swap3A_38], %swap3A_41 {strides = array<i32>} : memref<128x128xf32, #tpu.memory_space<vmem>>, vector<1x16xf32>,
      %broadcast_in_dim3A_42 = arith.constant 0.000000e+00 : f32
      %broadcast_in_dim3A_43 = vector.broadcast %broadcast_in_dim3A_42 : f32 to vector<16xf32>
      %swap3A_44 = arith.index_cast %scan3A_35 : i32 to index
      %swap3A_45 = arith.constant 16 : index
      %swap3A_46 = tpu.vector_load %arg10[%swap3A_44, %swap3A_45] {strides = array<i32>} : memref<128x128xf32, #tpu.memory_space<vmem>>, vector<1x16xf32>,
      %swap3A_47 = vector.shape_cast %swap3A_46 : vector<1x16xf32> to vector<16xf32>
      %swap3A_48 = vector.shape_cast %broadcast_in_dim3A_43 : vector<16xf32> to vector<1x16xf32>
      tpu.vector_store %arg10[%swap3A_44, %swap3A_45], %swap3A_48 {strides = array<i32>} : memref<128x128xf32, #tpu.memory_space<vmem>>, vector<1x16xf32>,
      %broadcast_in_dim3A_49 = arith.constant 0.000000e+00 : f32
      %broadcast_in_dim3A_50 = vector.broadcast %broadcast_in_dim3A_49 : f32 to vector<16xf32>
      %swap3A_51 = arith.index_cast %scan3A_35 : i32 to index
      %swap3A_52 = arith.constant 32 : index
      %swap3A_53 = tpu.vector_load %arg10[%swap3A_51, %swap3A_52] {strides = array<i32>} : memref<128x128xf32, #tpu.memory_space<vmem>>, vector<1x16xf32>,
      %swap3A_54 = vector.shape_cast %swap3A_53 : vector<1x16xf32> to vector<16xf32>
      %swap3A_55 = vector.shape_cast %broadcast_in_dim3A_50 : vector<16xf32> to vector<1x16xf32>
      tpu.vector_store %arg10[%swap3A_51, %swap3A_52], %swap3A_55 {strides = array<i32>} : memref<128x128xf32, #tpu.memory_space<vmem>>, vector<1x16xf32>,
      %broadcast_in_dim3A_56 = arith.constant 0.000000e+00 : f32
      %broadcast_in_dim3A_57 = vector.broadcast %broadcast_in_dim3A_56 : f32 to vector<16xf32>
      %swap3A_58 = arith.index_cast %scan3A_35 : i32 to index
      %swap3A_59 = arith.constant 48 : index
      %swap3A_60 = tpu.vector_load %arg10[%swap3A_58, %swap3A_59] {strides = array<i32>} : memref<128x128xf32, #tpu.memory_space<vmem>>, vector<1x16xf32>,
      %swap3A_61 = vector.shape_cast %swap3A_60 : vector<1x16xf32> to vector<16xf32>
      %swap3A_62 = vector.shape_cast %broadcast_in_dim3A_57 : vector<16xf32> to vector<1x16xf32>
      tpu.vector_store %arg10[%swap3A_58, %swap3A_59], %swap3A_62 {strides = array<i32>} : memref<128x128xf32, #tpu.memory_space<vmem>>, vector<1x16xf32>,
      %broadcast_in_dim3A_63 = arith.constant 0.000000e+00 : f32
      %broadcast_in_dim3A_64 = vector.broadcast %broadcast_in_dim3A_63 : f32 to vector<16xf32>
      %swap3A_65 = arith.index_cast %scan3A_35 : i32 to index
      %swap3A_66 = arith.constant 64 : index
      %swap3A_67 = tpu.vector_load %arg10[%swap3A_65, %swap3A_66] {strides = array<i32>} : memref<128x128xf32, #tpu.memory_space<vmem>>, vector<1x16xf32>,
      %swap3A_68 = vector.shape_cast %swap3A_67 : vector<1x16xf32> to vector<16xf32>
      %swap3A_69 = vector.shape_cast %broadcast_in_dim3A_64 : vector<16xf32> to vector<1x16xf32>
      tpu.vector_store %arg10[%swap3A_65, %swap3A_66], %swap3A_69 {strides = array<i32>} : memref<128x128xf32, #tpu.memory_space<vmem>>, vector<1x16xf32>,
      %broadcast_in_dim3A_70 = arith.constant 0.000000e+00 : f32
      %broadcast_in_dim3A_71 = vector.broadcast %broadcast_in_dim3A_70 : f32 to vector<16xf32>
      %swap3A_72 = arith.index_cast %scan3A_35 : i32 to index
      %swap3A_73 = arith.constant 80 : index
      %swap3A_74 = tpu.vector_load %arg10[%swap3A_72, %swap3A_73] {strides = array<i32>} : memref<128x128xf32, #tpu.memory_space<vmem>>, vector<1x16xf32>,
      %swap3A_75 = vector.shape_cast %swap3A_74 : vector<1x16xf32> to vector<16xf32>
      %swap3A_76 = vector.shape_cast %broadcast_in_dim3A_71 : vector<16xf32> to vector<1x16xf32>
      tpu.vector_store %arg10[%swap3A_72, %swap3A_73], %swap3A_76 {strides = array<i32>} : memref<128x128xf32, #tpu.memory_space<vmem>>, vector<1x16xf32>,
      %broadcast_in_dim3A_77 = arith.constant 0.000000e+00 : f32
      %broadcast_in_dim3A_78 = vector.broadcast %broadcast_in_dim3A_77 : f32 to vector<16xf32>
      %swap3A_79 = arith.index_cast %scan3A_35 : i32 to index
      %swap3A_80 = arith.constant 96 : index
      %swap3A_81 = tpu.vector_load %arg10[%swap3A_79, %swap3A_80] {strides = array<i32>} : memref<128x128xf32, #tpu.memory_space<vmem>>, vector<1x16xf32>,
      %swap3A_82 = vector.shape_cast %swap3A_81 : vector<1x16xf32> to vector<16xf32>
      %swap3A_83 = vector.shape_cast %broadcast_in_dim3A_78 : vector<16xf32> to vector<1x16xf32>
      tpu.vector_store %arg10[%swap3A_79, %swap3A_80], %swap3A_83 {strides = array<i32>} : memref<128x128xf32, #tpu.memory_space<vmem>>, vector<1x16xf32>,
      %broadcast_in_dim3A_84 = arith.constant 0.000000e+00 : f32
      %broadcast_in_dim3A_85 = vector.broadcast %broadcast_in_dim3A_84 : f32 to vector<16xf32>
      %swap3A_86 = arith.index_cast %scan3A_35 : i32 to index
      %swap3A_87 = arith.constant 112 : index
      %swap3A_88 = tpu.vector_load %arg10[%swap3A_86, %swap3A_87] {strides = array<i32>} : memref<128x128xf32, #tpu.memory_space<vmem>>, vector<1x16xf32>,
      %swap3A_89 = vector.shape_cast %swap3A_88 : vector<1x16xf32> to vector<16xf32>
      %swap3A_90 = vector.shape_cast %broadcast_in_dim3A_85 : vector<16xf32> to vector<1x16xf32>
      tpu.vector_store %arg10[%swap3A_86, %swap3A_87], %swap3A_90 {strides = array<i32>} : memref<128x128xf32, #tpu.memory_space<vmem>>, vector<1x16xf32>,
      %scan3A_91 = arith.constant 0 : i32
      scf.yield %scan3A_91 : i32
    }
    %scan3A_8 = arith.constant 128 : i32
    %mul3A_9 = arith.constant 640 : i32
    %mul3A_10 = arith.muli %arg1, %mul3A_9 : i32
    %lt3A = arith.constant 15 : i32
    %lt3A_11 = arith.cmpi slt, %arg1, %lt3A : i32
    %convert_element_type3A = arith.extui %lt3A_11 : i1 to i32
    %cond3A = arith.constant 0 : i32
    %cond3A_12 = arith.cmpi ne, %convert_element_type3A, %cond3A : i32
    scf.if %cond3A_12 {
      %add3A_35 = arith.constant 0 : i32
      %add3A_36 = arith.addi %mul3A_10, %add3A_35 : i32
      "tpu.region"() ({
        %run_scoped3A = tpu.sem_alloc : memref<!tpu.dma_semaphore, #tpu.memory_space<semaphore_mem>>
        %dma_start3A = arith.constant 0 : i32
        %dma_start3A_45 = tpu.memref_slice %arg11[%add3A_36, %dma_start3A] : memref<10000x128xf32, #tpu.memory_space<vmem_shared>> -> memref<128x128xf32, #tpu.memory_space<vmem_shared>>
        %dma_start3A_46 = arith.constant 0 : i32
        %dma_start3A_47 = tpu.memref_slice %arg11[%add3A_36, %dma_start3A_46] : memref<10000x128xf32, #tpu.memory_space<vmem_shared>> -> memref<128x128xf32, #tpu.memory_space<vmem_shared>>
        tpu.enqueue_dma source(%arg10 : memref<128x128xf32, #tpu.memory_space<vmem>>) target(%dma_start3A_47 : memref<128x128xf32, #tpu.memory_space<vmem_shared>>) target_semaphore(%run_scoped3A : memref<!tpu.dma_semaphore, #tpu.memory_space<semaphore_mem>>)
        %dma_wait3A = arith.constant 0 : i32
        %dma_wait3A_48 = tpu.memref_slice %arg11[%add3A_36, %dma_wait3A] : memref<10000x128xf32, #tpu.memory_space<vmem_shared>> -> memref<128x128xf32, #tpu.memory_space<vmem_shared>>
        %dma_wait3A_49 = arith.constant 0 : i32
        %dma_wait3A_50 = tpu.memref_slice %arg11[%add3A_36, %dma_wait3A_49] : memref<10000x128xf32, #tpu.memory_space<vmem_shared>> -> memref<128x128xf32, #tpu.memory_space<vmem_shared>>
        tpu.wait_dma2 semaphore(%run_scoped3A : memref<!tpu.dma_semaphore, #tpu.memory_space<semaphore_mem>>) src(%arg10 : memref<128x128xf32, #tpu.memory_space<vmem>>) dst(%dma_wait3A_50 : memref<128x128xf32, #tpu.memory_space<vmem_shared>>)
        tpu.yield
      }) : () -> ()
      %add3A_37 = arith.constant 128 : i32
      %add3A_38 = arith.addi %mul3A_10, %add3A_37 : i32
      "tpu.region"() ({
        %run_scoped3A = tpu.sem_alloc : memref<!tpu.dma_semaphore, #tpu.memory_space<semaphore_mem>>
        %dma_start3A = arith.constant 0 : i32
        %dma_start3A_45 = tpu.memref_slice %arg11[%add3A_38, %dma_start3A] : memref<10000x128xf32, #tpu.memory_space<vmem_shared>> -> memref<128x128xf32, #tpu.memory_space<vmem_shared>>
        %dma_start3A_46 = arith.constant 0 : i32
        %dma_start3A_47 = tpu.memref_slice %arg11[%add3A_38, %dma_start3A_46] : memref<10000x128xf32, #tpu.memory_space<vmem_shared>> -> memref<128x128xf32, #tpu.memory_space<vmem_shared>>
        tpu.enqueue_dma source(%arg10 : memref<128x128xf32, #tpu.memory_space<vmem>>) target(%dma_start3A_47 : memref<128x128xf32, #tpu.memory_space<vmem_shared>>) target_semaphore(%run_scoped3A : memref<!tpu.dma_semaphore, #tpu.memory_space<semaphore_mem>>)
        %dma_wait3A = arith.constant 0 : i32
        %dma_wait3A_48 = tpu.memref_slice %arg11[%add3A_38, %dma_wait3A] : memref<10000x128xf32, #tpu.memory_space<vmem_shared>> -> memref<128x128xf32, #tpu.memory_space<vmem_shared>>
        %dma_wait3A_49 = arith.constant 0 : i32
        %dma_wait3A_50 = tpu.memref_slice %arg11[%add3A_38, %dma_wait3A_49] : memref<10000x128xf32, #tpu.memory_space<vmem_shared>> -> memref<128x128xf32, #tpu.memory_space<vmem_shared>>
        tpu.wait_dma2 semaphore(%run_scoped3A : memref<!tpu.dma_semaphore, #tpu.memory_space<semaphore_mem>>) src(%arg10 : memref<128x128xf32, #tpu.memory_space<vmem>>) dst(%dma_wait3A_50 : memref<128x128xf32, #tpu.memory_space<vmem_shared>>)
        tpu.yield
      }) : () -> ()
      %add3A_39 = arith.constant 256 : i32
      %add3A_40 = arith.addi %mul3A_10, %add3A_39 : i32
      "tpu.region"() ({
        %run_scoped3A = tpu.sem_alloc : memref<!tpu.dma_semaphore, #tpu.memory_space<semaphore_mem>>
        %dma_start3A = arith.constant 0 : i32
        %dma_start3A_45 = tpu.memref_slice %arg11[%add3A_40, %dma_start3A] : memref<10000x128xf32, #tpu.memory_space<vmem_shared>> -> memref<128x128xf32, #tpu.memory_space<vmem_shared>>
        %dma_start3A_46 = arith.constant 0 : i32
        %dma_start3A_47 = tpu.memref_slice %arg11[%add3A_40, %dma_start3A_46] : memref<10000x128xf32, #tpu.memory_space<vmem_shared>> -> memref<128x128xf32, #tpu.memory_space<vmem_shared>>
        tpu.enqueue_dma source(%arg10 : memref<128x128xf32, #tpu.memory_space<vmem>>) target(%dma_start3A_47 : memref<128x128xf32, #tpu.memory_space<vmem_shared>>) target_semaphore(%run_scoped3A : memref<!tpu.dma_semaphore, #tpu.memory_space<semaphore_mem>>)
        %dma_wait3A = arith.constant 0 : i32
        %dma_wait3A_48 = tpu.memref_slice %arg11[%add3A_40, %dma_wait3A] : memref<10000x128xf32, #tpu.memory_space<vmem_shared>> -> memref<128x128xf32, #tpu.memory_space<vmem_shared>>
        %dma_wait3A_49 = arith.constant 0 : i32
        %dma_wait3A_50 = tpu.memref_slice %arg11[%add3A_40, %dma_wait3A_49] : memref<10000x128xf32, #tpu.memory_space<vmem_shared>> -> memref<128x128xf32, #tpu.memory_space<vmem_shared>>
        tpu.wait_dma2 semaphore(%run_scoped3A : memref<!tpu.dma_semaphore, #tpu.memory_space<semaphore_mem>>) src(%arg10 : memref<128x128xf32, #tpu.memory_space<vmem>>) dst(%dma_wait3A_50 : memref<128x128xf32, #tpu.memory_space<vmem_shared>>)
        tpu.yield
      }) : () -> ()
      %add3A_41 = arith.constant 384 : i32
      %add3A_42 = arith.addi %mul3A_10, %add3A_41 : i32
      "tpu.region"() ({
        %run_scoped3A = tpu.sem_alloc : memref<!tpu.dma_semaphore, #tpu.memory_space<semaphore_mem>>
        %dma_start3A = arith.constant 0 : i32
        %dma_start3A_45 = tpu.memref_slice %arg11[%add3A_42, %dma_start3A] : memref<10000x128xf32, #tpu.memory_space<vmem_shared>> -> memref<128x128xf32, #tpu.memory_space<vmem_shared>>
        %dma_start3A_46 = arith.constant 0 : i32
        %dma_start3A_47 = tpu.memref_slice %arg11[%add3A_42, %dma_start3A_46] : memref<10000x128xf32, #tpu.memory_space<vmem_shared>> -> memref<128x128xf32, #tpu.memory_space<vmem_shared>>
        tpu.enqueue_dma source(%arg10 : memref<128x128xf32, #tpu.memory_space<vmem>>) target(%dma_start3A_47 : memref<128x128xf32, #tpu.memory_space<vmem_shared>>) target_semaphore(%run_scoped3A : memref<!tpu.dma_semaphore, #tpu.memory_space<semaphore_mem>>)
        %dma_wait3A = arith.constant 0 : i32
        %dma_wait3A_48 = tpu.memref_slice %arg11[%add3A_42, %dma_wait3A] : memref<10000x128xf32, #tpu.memory_space<vmem_shared>> -> memref<128x128xf32, #tpu.memory_space<vmem_shared>>
        %dma_wait3A_49 = arith.constant 0 : i32
        %dma_wait3A_50 = tpu.memref_slice %arg11[%add3A_42, %dma_wait3A_49] : memref<10000x128xf32, #tpu.memory_space<vmem_shared>> -> memref<128x128xf32, #tpu.memory_space<vmem_shared>>
        tpu.wait_dma2 semaphore(%run_scoped3A : memref<!tpu.dma_semaphore, #tpu.memory_space<semaphore_mem>>) src(%arg10 : memref<128x128xf32, #tpu.memory_space<vmem>>) dst(%dma_wait3A_50 : memref<128x128xf32, #tpu.memory_space<vmem_shared>>)
        tpu.yield
      }) : () -> ()
      %add3A_43 = arith.constant 512 : i32
      %add3A_44 = arith.addi %mul3A_10, %add3A_43 : i32
      "tpu.region"() ({
        %run_scoped3A = tpu.sem_alloc : memref<!tpu.dma_semaphore, #tpu.memory_space<semaphore_mem>>
        %dma_start3A = arith.constant 0 : i32
        %dma_start3A_45 = tpu.memref_slice %arg11[%add3A_44, %dma_start3A] : memref<10000x128xf32, #tpu.memory_space<vmem_shared>> -> memref<128x128xf32, #tpu.memory_space<vmem_shared>>
        %dma_start3A_46 = arith.constant 0 : i32
        %dma_start3A_47 = tpu.memref_slice %arg11[%add3A_44, %dma_start3A_46] : memref<10000x128xf32, #tpu.memory_space<vmem_shared>> -> memref<128x128xf32, #tpu.memory_space<vmem_shared>>
        tpu.enqueue_dma source(%arg10 : memref<128x128xf32, #tpu.memory_space<vmem>>) target(%dma_start3A_47 : memref<128x128xf32, #tpu.memory_space<vmem_shared>>) target_semaphore(%run_scoped3A : memref<!tpu.dma_semaphore, #tpu.memory_space<semaphore_mem>>)
        %dma_wait3A = arith.constant 0 : i32
        %dma_wait3A_48 = tpu.memref_slice %arg11[%add3A_44, %dma_wait3A] : memref<10000x128xf32, #tpu.memory_space<vmem_shared>> -> memref<128x128xf32, #tpu.memory_space<vmem_shared>>
        %dma_wait3A_49 = arith.constant 0 : i32
        %dma_wait3A_50 = tpu.memref_slice %arg11[%add3A_44, %dma_wait3A_49] : memref<10000x128xf32, #tpu.memory_space<vmem_shared>> -> memref<128x128xf32, #tpu.memory_space<vmem_shared>>
        tpu.wait_dma2 semaphore(%run_scoped3A : memref<!tpu.dma_semaphore, #tpu.memory_space<semaphore_mem>>) src(%arg10 : memref<128x128xf32, #tpu.memory_space<vmem>>) dst(%dma_wait3A_50 : memref<128x128xf32, #tpu.memory_space<vmem_shared>>)
        tpu.yield
      }) : () -> ()
    } else {
    }
    %eq3A = arith.constant 15 : i32
    %eq3A_13 = arith.cmpi eq, %arg1, %eq3A : i32
    %convert_element_type3A_14 = arith.extui %eq3A_13 : i1 to i32
    %cond3A_15 = arith.constant 0 : i32
    %cond3A_16 = arith.cmpi ne, %convert_element_type3A_14, %cond3A_15 : i32
    scf.if %cond3A_16 {
      "tpu.region"() ({
        %run_scoped3A = tpu.sem_alloc : memref<!tpu.dma_semaphore, #tpu.memory_space<semaphore_mem>>
        %dma_start3A = arith.constant 9600 : i32
        %dma_start3A_35 = arith.constant 0 : i32
        %dma_start3A_36 = tpu.memref_slice %arg11[%dma_start3A, %dma_start3A_35] : memref<10000x128xf32, #tpu.memory_space<vmem_shared>> -> memref<128x128xf32, #tpu.memory_space<vmem_shared>>
        %dma_start3A_37 = arith.constant 9600 : i32
        %dma_start3A_38 = arith.constant 0 : i32
        %dma_start3A_39 = tpu.memref_slice %arg11[%dma_start3A_37, %dma_start3A_38] : memref<10000x128xf32, #tpu.memory_space<vmem_shared>> -> memref<128x128xf32, #tpu.memory_space<vmem_shared>>
        tpu.enqueue_dma source(%arg10 : memref<128x128xf32, #tpu.memory_space<vmem>>) target(%dma_start3A_39 : memref<128x128xf32, #tpu.memory_space<vmem_shared>>) target_semaphore(%run_scoped3A : memref<!tpu.dma_semaphore, #tpu.memory_space<semaphore_mem>>)
        %dma_wait3A = arith.constant 9600 : i32
        %dma_wait3A_40 = arith.constant 0 : i32
        %dma_wait3A_41 = tpu.memref_slice %arg11[%dma_wait3A, %dma_wait3A_40] : memref<10000x128xf32, #tpu.memory_space<vmem_shared>> -> memref<128x128xf32, #tpu.memory_space<vmem_shared>>
        %dma_wait3A_42 = arith.constant 9600 : i32
        %dma_wait3A_43 = arith.constant 0 : i32
        %dma_wait3A_44 = tpu.memref_slice %arg11[%dma_wait3A_42, %dma_wait3A_43] : memref<10000x128xf32, #tpu.memory_space<vmem_shared>> -> memref<128x128xf32, #tpu.memory_space<vmem_shared>>
        tpu.wait_dma2 semaphore(%run_scoped3A : memref<!tpu.dma_semaphore, #tpu.memory_space<semaphore_mem>>) src(%arg10 : memref<128x128xf32, #tpu.memory_space<vmem>>) dst(%dma_wait3A_44 : memref<128x128xf32, #tpu.memory_space<vmem_shared>>)
        tpu.yield
      }) : () -> ()
      "tpu.region"() ({
        %run_scoped3A = tpu.sem_alloc : memref<!tpu.dma_semaphore, #tpu.memory_space<semaphore_mem>>
        %dma_start3A = arith.constant 9728 : i32
        %dma_start3A_35 = arith.constant 0 : i32
        %dma_start3A_36 = tpu.memref_slice %arg11[%dma_start3A, %dma_start3A_35] : memref<10000x128xf32, #tpu.memory_space<vmem_shared>> -> memref<128x128xf32, #tpu.memory_space<vmem_shared>>
        %dma_start3A_37 = arith.constant 9728 : i32
        %dma_start3A_38 = arith.constant 0 : i32
        %dma_start3A_39 = tpu.memref_slice %arg11[%dma_start3A_37, %dma_start3A_38] : memref<10000x128xf32, #tpu.memory_space<vmem_shared>> -> memref<128x128xf32, #tpu.memory_space<vmem_shared>>
        tpu.enqueue_dma source(%arg10 : memref<128x128xf32, #tpu.memory_space<vmem>>) target(%dma_start3A_39 : memref<128x128xf32, #tpu.memory_space<vmem_shared>>) target_semaphore(%run_scoped3A : memref<!tpu.dma_semaphore, #tpu.memory_space<semaphore_mem>>)
        %dma_wait3A = arith.constant 9728 : i32
        %dma_wait3A_40 = arith.constant 0 : i32
        %dma_wait3A_41 = tpu.memref_slice %arg11[%dma_wait3A, %dma_wait3A_40] : memref<10000x128xf32, #tpu.memory_space<vmem_shared>> -> memref<128x128xf32, #tpu.memory_space<vmem_shared>>
        %dma_wait3A_42 = arith.constant 9728 : i32
        %dma_wait3A_43 = arith.constant 0 : i32
        %dma_wait3A_44 = tpu.memref_slice %arg11[%dma_wait3A_42, %dma_wait3A_43] : memref<10000x128xf32, #tpu.memory_space<vmem_shared>> -> memref<128x128xf32, #tpu.memory_space<vmem_shared>>
        tpu.wait_dma2 semaphore(%run_scoped3A : memref<!tpu.dma_semaphore, #tpu.memory_space<semaphore_mem>>) src(%arg10 : memref<128x128xf32, #tpu.memory_space<vmem>>) dst(%dma_wait3A_44 : memref<128x128xf32, #tpu.memory_space<vmem_shared>>)
        tpu.yield
      }) : () -> ()
      "tpu.region"() ({
        %run_scoped3A = tpu.sem_alloc : memref<!tpu.dma_semaphore, #tpu.memory_space<semaphore_mem>>
        %dma_start3A = arith.constant 9856 : i32
        %dma_start3A_35 = arith.constant 0 : i32
        %dma_start3A_36 = tpu.memref_slice %arg11[%dma_start3A, %dma_start3A_35] : memref<10000x128xf32, #tpu.memory_space<vmem_shared>> -> memref<128x128xf32, #tpu.memory_space<vmem_shared>>
        %dma_start3A_37 = arith.constant 9856 : i32
        %dma_start3A_38 = arith.constant 0 : i32
        %dma_start3A_39 = tpu.memref_slice %arg11[%dma_start3A_37, %dma_start3A_38] : memref<10000x128xf32, #tpu.memory_space<vmem_shared>> -> memref<128x128xf32, #tpu.memory_space<vmem_shared>>
        tpu.enqueue_dma source(%arg10 : memref<128x128xf32, #tpu.memory_space<vmem>>) target(%dma_start3A_39 : memref<128x128xf32, #tpu.memory_space<vmem_shared>>) target_semaphore(%run_scoped3A : memref<!tpu.dma_semaphore, #tpu.memory_space<semaphore_mem>>)
        %dma_wait3A = arith.constant 9856 : i32
        %dma_wait3A_40 = arith.constant 0 : i32
        %dma_wait3A_41 = tpu.memref_slice %arg11[%dma_wait3A, %dma_wait3A_40] : memref<10000x128xf32, #tpu.memory_space<vmem_shared>> -> memref<128x128xf32, #tpu.memory_space<vmem_shared>>
        %dma_wait3A_42 = arith.constant 9856 : i32
        %dma_wait3A_43 = arith.constant 0 : i32
        %dma_wait3A_44 = tpu.memref_slice %arg11[%dma_wait3A_42, %dma_wait3A_43] : memref<10000x128xf32, #tpu.memory_space<vmem_shared>> -> memref<128x128xf32, #tpu.memory_space<vmem_shared>>
        tpu.wait_dma2 semaphore(%run_scoped3A : memref<!tpu.dma_semaphore, #tpu.memory_space<semaphore_mem>>) src(%arg10 : memref<128x128xf32, #tpu.memory_space<vmem>>) dst(%dma_wait3A_44 : memref<128x128xf32, #tpu.memory_space<vmem_shared>>)
        tpu.yield
      }) : () -> ()
      "tpu.region"() ({
        %run_scoped3A = tpu.sem_alloc : memref<!tpu.dma_semaphore, #tpu.memory_space<semaphore_mem>>
        %dma_start3A = arith.constant 0 : i32
        %dma_start3A_35 = arith.constant 0 : i32
        %dma_start3A_36 = tpu.memref_slice %arg10[%dma_start3A, %dma_start3A_35] : memref<128x128xf32, #tpu.memory_space<vmem>> -> memref<16x128xf32, #tpu.memory_space<vmem>>
        %dma_start3A_37 = arith.constant 9984 : i32
        %dma_start3A_38 = arith.constant 0 : i32
        %dma_start3A_39 = tpu.memref_slice %arg11[%dma_start3A_37, %dma_start3A_38] : memref<10000x128xf32, #tpu.memory_space<vmem_shared>> -> memref<16x128xf32, #tpu.memory_space<vmem_shared>>
        %dma_start3A_40 = arith.constant 9984 : i32
        %dma_start3A_41 = arith.constant 0 : i32
        %dma_start3A_42 = tpu.memref_slice %arg11[%dma_start3A_40, %dma_start3A_41] : memref<10000x128xf32, #tpu.memory_space<vmem_shared>> -> memref<16x128xf32, #tpu.memory_space<vmem_shared>>
        %dma_start3A_43 = arith.constant 0 : i32
        %dma_start3A_44 = arith.constant 0 : i32
        %dma_start3A_45 = tpu.memref_slice %arg10[%dma_start3A_43, %dma_start3A_44] : memref<128x128xf32, #tpu.memory_space<vmem>> -> memref<16x128xf32, #tpu.memory_space<vmem>>
        tpu.enqueue_dma source(%dma_start3A_45 : memref<16x128xf32, #tpu.memory_space<vmem>>) target(%dma_start3A_42 : memref<16x128xf32, #tpu.memory_space<vmem_shared>>) target_semaphore(%run_scoped3A : memref<!tpu.dma_semaphore, #tpu.memory_space<semaphore_mem>>)
        %dma_wait3A = arith.constant 0 : i32
        %dma_wait3A_46 = arith.constant 0 : i32
        %dma_wait3A_47 = tpu.memref_slice %arg10[%dma_wait3A, %dma_wait3A_46] : memref<128x128xf32, #tpu.memory_space<vmem>> -> memref<16x128xf32, #tpu.memory_space<vmem>>
        %dma_wait3A_48 = arith.constant 9984 : i32
        %dma_wait3A_49 = arith.constant 0 : i32
        %dma_wait3A_50 = tpu.memref_slice %arg11[%dma_wait3A_48, %dma_wait3A_49] : memref<10000x128xf32, #tpu.memory_space<vmem_shared>> -> memref<16x128xf32, #tpu.memory_space<vmem_shared>>
        %dma_wait3A_51 = arith.constant 9984 : i32
        %dma_wait3A_52 = arith.constant 0 : i32
        %dma_wait3A_53 = tpu.memref_slice %arg11[%dma_wait3A_51, %dma_wait3A_52] : memref<10000x128xf32, #tpu.memory_space<vmem_shared>> -> memref<16x128xf32, #tpu.memory_space<vmem_shared>>
        %dma_wait3A_54 = arith.constant 0 : i32
        %dma_wait3A_55 = arith.constant 0 : i32
        %dma_wait3A_56 = tpu.memref_slice %arg10[%dma_wait3A_54, %dma_wait3A_55] : memref<128x128xf32, #tpu.memory_space<vmem>> -> memref<16x128xf32, #tpu.memory_space<vmem>>
        tpu.wait_dma2 semaphore(%run_scoped3A : memref<!tpu.dma_semaphore, #tpu.memory_space<semaphore_mem>>) src(%dma_wait3A_56 : memref<16x128xf32, #tpu.memory_space<vmem>>) dst(%dma_wait3A_53 : memref<16x128xf32, #tpu.memory_space<vmem_shared>>)
        tpu.yield
      }) : () -> ()
    } else {
    }
    %barrier3A = arith.constant 0 : index
    tpu.barrier barrier_id(%barrier3A)
    %scan3A_17 = arith.constant 0 : i32
    %scan3A_18 = arith.constant 0 : i32
    %scan3A_19 = arith.constant 10 : i32
    %scan3A_20 = arith.addi %scan3A_18, %scan3A_19 : i32
    %scan3A_21 = arith.constant 1 : i32
    %scan3A_22 = scf.for %scan3A_35 = %scan3A_18 to %scan3A_20 step %scan3A_21 iter_args(%scan3A_36 = %scan3A_17) -> (i32)  : i32 {
      %mul3A_37 = arith.constant 8 : i32
      %mul3A_38 = arith.muli %scan3A_35, %mul3A_37 : i32
      %add3A_39 = arith.addi %mul3A_2, %mul3A_38 : i32
      "tpu.region"() ({
        %run_scoped3A = tpu.sem_alloc : memref<!tpu.dma_semaphore, #tpu.memory_space<semaphore_mem>>
        %dma_start3A = arith.constant 0 : i32
        %dma_start3A_48 = tpu.memref_slice %arg3[%add3A_39, %dma_start3A] : memref<2560x128xi32, #tpu.memory_space<hbm>> -> memref<8x128xi32, #tpu.memory_space<hbm>>
        %dma_start3A_49 = arith.constant 0 : i32
        %dma_start3A_50 = tpu.memref_slice %arg3[%add3A_39, %dma_start3A_49] : memref<2560x128xi32, #tpu.memory_space<hbm>> -> memref<8x128xi32, #tpu.memory_space<hbm>>
        tpu.enqueue_dma source(%dma_start3A_50 : memref<8x128xi32, #tpu.memory_space<hbm>>) target(%arg7 : memref<8x128xi32, #tpu.memory_space<vmem>>) target_semaphore(%run_scoped3A : memref<!tpu.dma_semaphore, #tpu.memory_space<semaphore_mem>>)
        %dma_wait3A = arith.constant 0 : i32
        %dma_wait3A_51 = tpu.memref_slice %arg3[%add3A_39, %dma_wait3A] : memref<2560x128xi32, #tpu.memory_space<hbm>> -> memref<8x128xi32, #tpu.memory_space<hbm>>
        %dma_wait3A_52 = arith.constant 0 : i32
        %dma_wait3A_53 = tpu.memref_slice %arg3[%add3A_39, %dma_wait3A_52] : memref<2560x128xi32, #tpu.memory_space<hbm>> -> memref<8x128xi32, #tpu.memory_space<hbm>>
        tpu.wait_dma2 semaphore(%run_scoped3A : memref<!tpu.dma_semaphore, #tpu.memory_space<semaphore_mem>>) src(%dma_wait3A_53 : memref<8x128xi32, #tpu.memory_space<hbm>>) dst(%arg7 : memref<8x128xi32, #tpu.memory_space<vmem>>)
        tpu.yield
      }) : () -> ()
      "tpu.region"() ({
        %run_scoped3A = tpu.sem_alloc : memref<!tpu.dma_semaphore, #tpu.memory_space<semaphore_mem>>
        %dma_start3A = arith.constant 0 : i32
        %dma_start3A_48 = tpu.memref_slice %arg4[%add3A_39, %dma_start3A] : memref<2560x128xi32, #tpu.memory_space<hbm>> -> memref<8x128xi32, #tpu.memory_space<hbm>>
        %dma_start3A_49 = arith.constant 0 : i32
        %dma_start3A_50 = tpu.memref_slice %arg4[%add3A_39, %dma_start3A_49] : memref<2560x128xi32, #tpu.memory_space<hbm>> -> memref<8x128xi32, #tpu.memory_space<hbm>>
        tpu.enqueue_dma source(%dma_start3A_50 : memref<8x128xi32, #tpu.memory_space<hbm>>) target(%arg8 : memref<8x128xi32, #tpu.memory_space<vmem>>) target_semaphore(%run_scoped3A : memref<!tpu.dma_semaphore, #tpu.memory_space<semaphore_mem>>)
        %dma_wait3A = arith.constant 0 : i32
        %dma_wait3A_51 = tpu.memref_slice %arg4[%add3A_39, %dma_wait3A] : memref<2560x128xi32, #tpu.memory_space<hbm>> -> memref<8x128xi32, #tpu.memory_space<hbm>>
        %dma_wait3A_52 = arith.constant 0 : i32
        %dma_wait3A_53 = tpu.memref_slice %arg4[%add3A_39, %dma_wait3A_52] : memref<2560x128xi32, #tpu.memory_space<hbm>> -> memref<8x128xi32, #tpu.memory_space<hbm>>
        tpu.wait_dma2 semaphore(%run_scoped3A : memref<!tpu.dma_semaphore, #tpu.memory_space<semaphore_mem>>) src(%dma_wait3A_53 : memref<8x128xi32, #tpu.memory_space<hbm>>) dst(%arg8 : memref<8x128xi32, #tpu.memory_space<vmem>>)
        tpu.yield
      }) : () -> ()
      %scan3A_40 = arith.constant 0 : i32
      %scan3A_41 = arith.constant 0 : i32
      %scan3A_42 = arith.constant 8 : i32
      %scan3A_43 = arith.addi %scan3A_41, %scan3A_42 : i32
      %scan3A_44 = arith.constant 1 : i32
      %scan3A_45 = scf.for %scan3A_48 = %scan3A_41 to %scan3A_43 step %scan3A_44 iter_args(%scan3A_49 = %scan3A_40) -> (i32)  : i32 {
        %add3A_50 = arith.addi %add3A_39, %scan3A_48 : i32
        %lt3A_51 = arith.constant 2500 : i32
        %lt3A_52 = arith.cmpi slt, %add3A_50, %lt3A_51 : i32
        %convert_element_type3A_53 = arith.extui %lt3A_52 : i1 to i32
        %cond3A_54 = arith.constant 0 : i32
        %cond3A_55 = arith.cmpi ne, %convert_element_type3A_53, %cond3A_54 : i32
        scf.if %cond3A_55 {
          %mul3A_57 = arith.constant 128 : i32
          %mul3A_58 = arith.muli %add3A_50, %mul3A_57 : i32
          %dma_start3A = arith.constant 0 : i32
          %dma_start3A_59 = tpu.memref_slice %arg5[%mul3A_58, %dma_start3A] : memref<320000x128xf32, #tpu.memory_space<hbm>> -> memref<128x128xf32, #tpu.memory_space<hbm>>
          %dma_start3A_60 = arith.constant 0 : i32
          %dma_start3A_61 = tpu.memref_slice %arg5[%mul3A_58, %dma_start3A_60] : memref<320000x128xf32, #tpu.memory_space<hbm>> -> memref<128x128xf32, #tpu.memory_space<hbm>>
          tpu.enqueue_dma source(%dma_start3A_61 : memref<128x128xf32, #tpu.memory_space<hbm>>) target(%arg10 : memref<128x128xf32, #tpu.memory_space<vmem>>) target_semaphore(%arg13 : memref<!tpu.dma_semaphore, #tpu.memory_space<semaphore_mem>>)
          %dma_start3A_62 = arith.constant 0 : i32
          %dma_start3A_63 = tpu.memref_slice %arg7[%scan3A_48, %dma_start3A_62] : memref<8x128xi32, #tpu.memory_space<vmem>> -> memref<1x128xi32, #tpu.memory_space<vmem>>
          %dma_start3A_64 = tpu.memref_squeeze %dma_start3A_63 : memref<1x128xi32, #tpu.memory_space<vmem>> -> memref<128xi32, #tpu.memory_space<vmem>>
          %dma_start3A_65 = arith.constant 0 : i32
          %dma_start3A_66 = arith.constant 0 : i32
          %dma_start3A_67 = tpu.memref_slice %arg2[%dma_start3A_65, %dma_start3A_66] : memref<10000x128xf32, #tpu.memory_space<hbm>> -> memref<10000x128xf32, #tpu.memory_space<hbm>>
          tpu.enqueue_indirect_dma source(%dma_start3A_67 : memref<10000x128xf32, #tpu.memory_space<hbm>>) target(%arg9 : memref<128x128xf32, #tpu.memory_space<vmem>>) offsets(%dma_start3A_64 : memref<128xi32, #tpu.memory_space<vmem>>) semaphore(%arg12 : memref<!tpu.dma_semaphore, #tpu.memory_space<semaphore_mem>>)
          %dma_wait3A = arith.constant 0 : i32
          %dma_wait3A_68 = tpu.memref_slice %arg5[%mul3A_58, %dma_wait3A] : memref<320000x128xf32, #tpu.memory_space<hbm>> -> memref<128x128xf32, #tpu.memory_space<hbm>>
          %dma_wait3A_69 = arith.constant 0 : i32
          %dma_wait3A_70 = tpu.memref_slice %arg5[%mul3A_58, %dma_wait3A_69] : memref<320000x128xf32, #tpu.memory_space<hbm>> -> memref<128x128xf32, #tpu.memory_space<hbm>>
          tpu.wait_dma2 semaphore(%arg13 : memref<!tpu.dma_semaphore, #tpu.memory_space<semaphore_mem>>) src(%dma_wait3A_70 : memref<128x128xf32, #tpu.memory_space<hbm>>) dst(%arg10 : memref<128x128xf32, #tpu.memory_space<vmem>>)
          %dma_wait3A_71 = arith.constant 0 : i32
          %dma_wait3A_72 = tpu.memref_slice %arg7[%scan3A_48, %dma_wait3A_71] : memref<8x128xi32, #tpu.memory_space<vmem>> -> memref<1x128xi32, #tpu.memory_space<vmem>>
          %dma_wait3A_73 = tpu.memref_squeeze %dma_wait3A_72 : memref<1x128xi32, #tpu.memory_space<vmem>> -> memref<128xi32, #tpu.memory_space<vmem>>
          %dma_wait3A_74 = arith.constant 0 : i32
          %dma_wait3A_75 = arith.constant 0 : i32
          %dma_wait3A_76 = tpu.memref_slice %arg2[%dma_wait3A_74, %dma_wait3A_75] : memref<10000x128xf32, #tpu.memory_space<hbm>> -> memref<10000x128xf32, #tpu.memory_space<hbm>>
          tpu.wait_indirect_dma semaphore(%arg12 : memref<!tpu.dma_semaphore, #tpu.memory_space<semaphore_mem>>) src(%dma_wait3A_76 : memref<10000x128xf32, #tpu.memory_space<hbm>>) dst(%arg9 : memref<128x128xf32, #tpu.memory_space<vmem>>)
          %scan3A_77 = arith.constant 0 : i32
          %scan3A_78 = arith.constant 0 : i32
          %scan3A_79 = arith.constant 128 : i32
          %scan3A_80 = arith.addi %scan3A_78, %scan3A_79 : i32
          %scan3A_81 = arith.constant 1 : i32
          %scan3A_82 = scf.for %scan3A_84 = %scan3A_78 to %scan3A_80 step %scan3A_81 iter_args(%scan3A_85 = %scan3A_77) -> (i32)  : i32 {
            %get3A = arith.index_cast %scan3A_84 : i32 to index
            %get3A_86 = arith.constant 0 : index
            %get3A_87 = tpu.vector_load %arg9[%get3A, %get3A_86] {strides = array<i32>} : memref<128x128xf32, #tpu.memory_space<vmem>>, vector<1x16xf32>,
            %get3A_88 = vector.shape_cast %get3A_87 : vector<1x16xf32> to vector<16xf32>
            %get3A_89 = arith.index_cast %scan3A_84 : i32 to index
            %get3A_90 = arith.constant 0 : index
            %get3A_91 = tpu.vector_load %arg10[%get3A_89, %get3A_90] {strides = array<i32>} : memref<128x128xf32, #tpu.memory_space<vmem>>, vector<1x16xf32>,
            %get3A_92 = vector.shape_cast %get3A_91 : vector<1x16xf32> to vector<16xf32>
            %add3A_93 = arith.addf %get3A_88, %get3A_92 : vector<16xf32>
            %max3A = arith.constant 0.000000e+00 : f32
            %max3A_94 = vector.broadcast %max3A : f32 to vector<16xf32>
            %max3A_95 = arith.maximumf %add3A_93, %max3A_94 : vector<16xf32>
            %swap3A = arith.index_cast %scan3A_84 : i32 to index
            %swap3A_96 = arith.constant 0 : index
            %swap3A_97 = tpu.vector_load %arg9[%swap3A, %swap3A_96] {strides = array<i32>} : memref<128x128xf32, #tpu.memory_space<vmem>>, vector<1x16xf32>,
            %swap3A_98 = vector.shape_cast %swap3A_97 : vector<1x16xf32> to vector<16xf32>
            %swap3A_99 = vector.shape_cast %max3A_95 : vector<16xf32> to vector<1x16xf32>
            tpu.vector_store %arg9[%swap3A, %swap3A_96], %swap3A_99 {strides = array<i32>} : memref<128x128xf32, #tpu.memory_space<vmem>>, vector<1x16xf32>,
            %get3A_100 = arith.index_cast %scan3A_84 : i32 to index
            %get3A_101 = arith.constant 16 : index
            %get3A_102 = tpu.vector_load %arg9[%get3A_100, %get3A_101] {strides = array<i32>} : memref<128x128xf32, #tpu.memory_space<vmem>>, vector<1x16xf32>,
            %get3A_103 = vector.shape_cast %get3A_102 : vector<1x16xf32> to vector<16xf32>
            %get3A_104 = arith.index_cast %scan3A_84 : i32 to index
            %get3A_105 = arith.constant 16 : index
            %get3A_106 = tpu.vector_load %arg10[%get3A_104, %get3A_105] {strides = array<i32>} : memref<128x128xf32, #tpu.memory_space<vmem>>, vector<1x16xf32>,
            %get3A_107 = vector.shape_cast %get3A_106 : vector<1x16xf32> to vector<16xf32>
            %add3A_108 = arith.addf %get3A_103, %get3A_107 : vector<16xf32>
            %max3A_109 = arith.constant 0.000000e+00 : f32
            %max3A_110 = vector.broadcast %max3A_109 : f32 to vector<16xf32>
            %max3A_111 = arith.maximumf %add3A_108, %max3A_110 : vector<16xf32>
            %swap3A_112 = arith.index_cast %scan3A_84 : i32 to index
            %swap3A_113 = arith.constant 16 : index
            %swap3A_114 = tpu.vector_load %arg9[%swap3A_112, %swap3A_113] {strides = array<i32>} : memref<128x128xf32, #tpu.memory_space<vmem>>, vector<1x16xf32>,
            %swap3A_115 = vector.shape_cast %swap3A_114 : vector<1x16xf32> to vector<16xf32>
            %swap3A_116 = vector.shape_cast %max3A_111 : vector<16xf32> to vector<1x16xf32>
            tpu.vector_store %arg9[%swap3A_112, %swap3A_113], %swap3A_116 {strides = array<i32>} : memref<128x128xf32, #tpu.memory_space<vmem>>, vector<1x16xf32>,
            %get3A_117 = arith.index_cast %scan3A_84 : i32 to index
            %get3A_118 = arith.constant 32 : index
            %get3A_119 = tpu.vector_load %arg9[%get3A_117, %get3A_118] {strides = array<i32>} : memref<128x128xf32, #tpu.memory_space<vmem>>, vector<1x16xf32>,
            %get3A_120 = vector.shape_cast %get3A_119 : vector<1x16xf32> to vector<16xf32>
            %get3A_121 = arith.index_cast %scan3A_84 : i32 to index
            %get3A_122 = arith.constant 32 : index
            %get3A_123 = tpu.vector_load %arg10[%get3A_121, %get3A_122] {strides = array<i32>} : memref<128x128xf32, #tpu.memory_space<vmem>>, vector<1x16xf32>,
            %get3A_124 = vector.shape_cast %get3A_123 : vector<1x16xf32> to vector<16xf32>
            %add3A_125 = arith.addf %get3A_120, %get3A_124 : vector<16xf32>
            %max3A_126 = arith.constant 0.000000e+00 : f32
            %max3A_127 = vector.broadcast %max3A_126 : f32 to vector<16xf32>
            %max3A_128 = arith.maximumf %add3A_125, %max3A_127 : vector<16xf32>
            %swap3A_129 = arith.index_cast %scan3A_84 : i32 to index
            %swap3A_130 = arith.constant 32 : index
            %swap3A_131 = tpu.vector_load %arg9[%swap3A_129, %swap3A_130] {strides = array<i32>} : memref<128x128xf32, #tpu.memory_space<vmem>>, vector<1x16xf32>,
            %swap3A_132 = vector.shape_cast %swap3A_131 : vector<1x16xf32> to vector<16xf32>
            %swap3A_133 = vector.shape_cast %max3A_128 : vector<16xf32> to vector<1x16xf32>
            tpu.vector_store %arg9[%swap3A_129, %swap3A_130], %swap3A_133 {strides = array<i32>} : memref<128x128xf32, #tpu.memory_space<vmem>>, vector<1x16xf32>,
            %get3A_134 = arith.index_cast %scan3A_84 : i32 to index
            %get3A_135 = arith.constant 48 : index
            %get3A_136 = tpu.vector_load %arg9[%get3A_134, %get3A_135] {strides = array<i32>} : memref<128x128xf32, #tpu.memory_space<vmem>>, vector<1x16xf32>,
            %get3A_137 = vector.shape_cast %get3A_136 : vector<1x16xf32> to vector<16xf32>
            %get3A_138 = arith.index_cast %scan3A_84 : i32 to index
            %get3A_139 = arith.constant 48 : index
            %get3A_140 = tpu.vector_load %arg10[%get3A_138, %get3A_139] {strides = array<i32>} : memref<128x128xf32, #tpu.memory_space<vmem>>, vector<1x16xf32>,
            %get3A_141 = vector.shape_cast %get3A_140 : vector<1x16xf32> to vector<16xf32>
            %add3A_142 = arith.addf %get3A_137, %get3A_141 : vector<16xf32>
            %max3A_143 = arith.constant 0.000000e+00 : f32
            %max3A_144 = vector.broadcast %max3A_143 : f32 to vector<16xf32>
            %max3A_145 = arith.maximumf %add3A_142, %max3A_144 : vector<16xf32>
            %swap3A_146 = arith.index_cast %scan3A_84 : i32 to index
            %swap3A_147 = arith.constant 48 : index
            %swap3A_148 = tpu.vector_load %arg9[%swap3A_146, %swap3A_147] {strides = array<i32>} : memref<128x128xf32, #tpu.memory_space<vmem>>, vector<1x16xf32>,
            %swap3A_149 = vector.shape_cast %swap3A_148 : vector<1x16xf32> to vector<16xf32>
            %swap3A_150 = vector.shape_cast %max3A_145 : vector<16xf32> to vector<1x16xf32>
            tpu.vector_store %arg9[%swap3A_146, %swap3A_147], %swap3A_150 {strides = array<i32>} : memref<128x128xf32, #tpu.memory_space<vmem>>, vector<1x16xf32>,
            %get3A_151 = arith.index_cast %scan3A_84 : i32 to index
            %get3A_152 = arith.constant 64 : index
            %get3A_153 = tpu.vector_load %arg9[%get3A_151, %get3A_152] {strides = array<i32>} : memref<128x128xf32, #tpu.memory_space<vmem>>, vector<1x16xf32>,
            %get3A_154 = vector.shape_cast %get3A_153 : vector<1x16xf32> to vector<16xf32>
            %get3A_155 = arith.index_cast %scan3A_84 : i32 to index
            %get3A_156 = arith.constant 64 : index
            %get3A_157 = tpu.vector_load %arg10[%get3A_155, %get3A_156] {strides = array<i32>} : memref<128x128xf32, #tpu.memory_space<vmem>>, vector<1x16xf32>,
            %get3A_158 = vector.shape_cast %get3A_157 : vector<1x16xf32> to vector<16xf32>
            %add3A_159 = arith.addf %get3A_154, %get3A_158 : vector<16xf32>
            %max3A_160 = arith.constant 0.000000e+00 : f32
            %max3A_161 = vector.broadcast %max3A_160 : f32 to vector<16xf32>
            %max3A_162 = arith.maximumf %add3A_159, %max3A_161 : vector<16xf32>
            %swap3A_163 = arith.index_cast %scan3A_84 : i32 to index
            %swap3A_164 = arith.constant 64 : index
            %swap3A_165 = tpu.vector_load %arg9[%swap3A_163, %swap3A_164] {strides = array<i32>} : memref<128x128xf32, #tpu.memory_space<vmem>>, vector<1x16xf32>,
            %swap3A_166 = vector.shape_cast %swap3A_165 : vector<1x16xf32> to vector<16xf32>
            %swap3A_167 = vector.shape_cast %max3A_162 : vector<16xf32> to vector<1x16xf32>
            tpu.vector_store %arg9[%swap3A_163, %swap3A_164], %swap3A_167 {strides = array<i32>} : memref<128x128xf32, #tpu.memory_space<vmem>>, vector<1x16xf32>,
            %get3A_168 = arith.index_cast %scan3A_84 : i32 to index
            %get3A_169 = arith.constant 80 : index
            %get3A_170 = tpu.vector_load %arg9[%get3A_168, %get3A_169] {strides = array<i32>} : memref<128x128xf32, #tpu.memory_space<vmem>>, vector<1x16xf32>,
            %get3A_171 = vector.shape_cast %get3A_170 : vector<1x16xf32> to vector<16xf32>
            %get3A_172 = arith.index_cast %scan3A_84 : i32 to index
            %get3A_173 = arith.constant 80 : index
            %get3A_174 = tpu.vector_load %arg10[%get3A_172, %get3A_173] {strides = array<i32>} : memref<128x128xf32, #tpu.memory_space<vmem>>, vector<1x16xf32>,
            %get3A_175 = vector.shape_cast %get3A_174 : vector<1x16xf32> to vector<16xf32>
            %add3A_176 = arith.addf %get3A_171, %get3A_175 : vector<16xf32>
            %max3A_177 = arith.constant 0.000000e+00 : f32
            %max3A_178 = vector.broadcast %max3A_177 : f32 to vector<16xf32>
            %max3A_179 = arith.maximumf %add3A_176, %max3A_178 : vector<16xf32>
            %swap3A_180 = arith.index_cast %scan3A_84 : i32 to index
            %swap3A_181 = arith.constant 80 : index
            %swap3A_182 = tpu.vector_load %arg9[%swap3A_180, %swap3A_181] {strides = array<i32>} : memref<128x128xf32, #tpu.memory_space<vmem>>, vector<1x16xf32>,
            %swap3A_183 = vector.shape_cast %swap3A_182 : vector<1x16xf32> to vector<16xf32>
            %swap3A_184 = vector.shape_cast %max3A_179 : vector<16xf32> to vector<1x16xf32>
            tpu.vector_store %arg9[%swap3A_180, %swap3A_181], %swap3A_184 {strides = array<i32>} : memref<128x128xf32, #tpu.memory_space<vmem>>, vector<1x16xf32>,
            %get3A_185 = arith.index_cast %scan3A_84 : i32 to index
            %get3A_186 = arith.constant 96 : index
            %get3A_187 = tpu.vector_load %arg9[%get3A_185, %get3A_186] {strides = array<i32>} : memref<128x128xf32, #tpu.memory_space<vmem>>, vector<1x16xf32>,
            %get3A_188 = vector.shape_cast %get3A_187 : vector<1x16xf32> to vector<16xf32>
            %get3A_189 = arith.index_cast %scan3A_84 : i32 to index
            %get3A_190 = arith.constant 96 : index
            %get3A_191 = tpu.vector_load %arg10[%get3A_189, %get3A_190] {strides = array<i32>} : memref<128x128xf32, #tpu.memory_space<vmem>>, vector<1x16xf32>,
            %get3A_192 = vector.shape_cast %get3A_191 : vector<1x16xf32> to vector<16xf32>
            %add3A_193 = arith.addf %get3A_188, %get3A_192 : vector<16xf32>
            %max3A_194 = arith.constant 0.000000e+00 : f32
            %max3A_195 = vector.broadcast %max3A_194 : f32 to vector<16xf32>
            %max3A_196 = arith.maximumf %add3A_193, %max3A_195 : vector<16xf32>
            %swap3A_197 = arith.index_cast %scan3A_84 : i32 to index
            %swap3A_198 = arith.constant 96 : index
            %swap3A_199 = tpu.vector_load %arg9[%swap3A_197, %swap3A_198] {strides = array<i32>} : memref<128x128xf32, #tpu.memory_space<vmem>>, vector<1x16xf32>,
            %swap3A_200 = vector.shape_cast %swap3A_199 : vector<1x16xf32> to vector<16xf32>
            %swap3A_201 = vector.shape_cast %max3A_196 : vector<16xf32> to vector<1x16xf32>
            tpu.vector_store %arg9[%swap3A_197, %swap3A_198], %swap3A_201 {strides = array<i32>} : memref<128x128xf32, #tpu.memory_space<vmem>>, vector<1x16xf32>,
            %get3A_202 = arith.index_cast %scan3A_84 : i32 to index
            %get3A_203 = arith.constant 112 : index
            %get3A_204 = tpu.vector_load %arg9[%get3A_202, %get3A_203] {strides = array<i32>} : memref<128x128xf32, #tpu.memory_space<vmem>>, vector<1x16xf32>,
            %get3A_205 = vector.shape_cast %get3A_204 : vector<1x16xf32> to vector<16xf32>
            %get3A_206 = arith.index_cast %scan3A_84 : i32 to index
            %get3A_207 = arith.constant 112 : index
            %get3A_208 = tpu.vector_load %arg10[%get3A_206, %get3A_207] {strides = array<i32>} : memref<128x128xf32, #tpu.memory_space<vmem>>, vector<1x16xf32>,
            %get3A_209 = vector.shape_cast %get3A_208 : vector<1x16xf32> to vector<16xf32>
            %add3A_210 = arith.addf %get3A_205, %get3A_209 : vector<16xf32>
            %max3A_211 = arith.constant 0.000000e+00 : f32
            %max3A_212 = vector.broadcast %max3A_211 : f32 to vector<16xf32>
            %max3A_213 = arith.maximumf %add3A_210, %max3A_212 : vector<16xf32>
            %swap3A_214 = arith.index_cast %scan3A_84 : i32 to index
            %swap3A_215 = arith.constant 112 : index
            %swap3A_216 = tpu.vector_load %arg9[%swap3A_214, %swap3A_215] {strides = array<i32>} : memref<128x128xf32, #tpu.memory_space<vmem>>, vector<1x16xf32>,
            %swap3A_217 = vector.shape_cast %swap3A_216 : vector<1x16xf32> to vector<16xf32>
            %swap3A_218 = vector.shape_cast %max3A_213 : vector<16xf32> to vector<1x16xf32>
            tpu.vector_store %arg9[%swap3A_214, %swap3A_215], %swap3A_218 {strides = array<i32>} : memref<128x128xf32, #tpu.memory_space<vmem>>, vector<1x16xf32>,
            %scan3A_219 = arith.constant 0 : i32
            scf.yield %scan3A_219 : i32
          }
          %scan3A_83 = arith.constant 128 : i32
          "tpu.region"() ({
            %run_scoped3A = tpu.sem_alloc : memref<!tpu.dma_semaphore, #tpu.memory_space<semaphore_mem>>
            %dma_start3A_84 = arith.constant 0 : i32
            %dma_start3A_85 = tpu.memref_slice %arg8[%scan3A_48, %dma_start3A_84] : memref<8x128xi32, #tpu.memory_space<vmem>> -> memref<1x128xi32, #tpu.memory_space<vmem>>
            %dma_start3A_86 = tpu.memref_squeeze %dma_start3A_85 : memref<1x128xi32, #tpu.memory_space<vmem>> -> memref<128xi32, #tpu.memory_space<vmem>>
            %dma_start3A_87 = arith.constant 0 : i32
            %dma_start3A_88 = arith.constant 0 : i32
            %dma_start3A_89 = tpu.memref_slice %arg11[%dma_start3A_87, %dma_start3A_88] : memref<10000x128xf32, #tpu.memory_space<vmem_shared>> -> memref<10000x128xf32, #tpu.memory_space<vmem_shared>>
            tpu.enqueue_indirect_dma source(%arg9 : memref<128x128xf32, #tpu.memory_space<vmem>>) target(%dma_start3A_89 : memref<10000x128xf32, #tpu.memory_space<vmem_shared>>) offsets(%dma_start3A_86 : memref<128xi32, #tpu.memory_space<vmem>>) semaphore(%run_scoped3A : memref<!tpu.dma_semaphore, #tpu.memory_space<semaphore_mem>>) {add = true}
            %dma_wait3A_90 = arith.constant 0 : i32
            %dma_wait3A_91 = tpu.memref_slice %arg8[%scan3A_48, %dma_wait3A_90] : memref<8x128xi32, #tpu.memory_space<vmem>> -> memref<1x128xi32, #tpu.memory_space<vmem>>
            %dma_wait3A_92 = tpu.memref_squeeze %dma_wait3A_91 : memref<1x128xi32, #tpu.memory_space<vmem>> -> memref<128xi32, #tpu.memory_space<vmem>>
            %dma_wait3A_93 = arith.constant 0 : i32
            %dma_wait3A_94 = arith.constant 0 : i32
            %dma_wait3A_95 = tpu.memref_slice %arg11[%dma_wait3A_93, %dma_wait3A_94] : memref<10000x128xf32, #tpu.memory_space<vmem_shared>> -> memref<10000x128xf32, #tpu.memory_space<vmem_shared>>
            tpu.wait_indirect_dma semaphore(%run_scoped3A : memref<!tpu.dma_semaphore, #tpu.memory_space<semaphore_mem>>) src(%arg9 : memref<128x128xf32, #tpu.memory_space<vmem>>) dst(%dma_wait3A_95 : memref<10000x128xf32, #tpu.memory_space<vmem_shared>>)
            tpu.yield
          }) : () -> ()
        } else {
        }
        %scan3A_56 = arith.constant 0 : i32
        scf.yield %scan3A_56 : i32
      }
      %scan3A_46 = arith.constant 8 : i32
      %scan3A_47 = arith.constant 0 : i32
      scf.yield %scan3A_47 : i32
    }
    %scan3A_23 = arith.constant 10 : i32
    %barrier3A_24 = arith.constant 0 : index
    tpu.barrier barrier_id(%barrier3A_24)
    %lt3A_25 = arith.constant 15 : i32
    %lt3A_26 = arith.cmpi slt, %arg1, %lt3A_25 : i32
    %convert_element_type3A_27 = arith.extui %lt3A_26 : i1 to i32
    %cond3A_28 = arith.constant 0 : i32
    %cond3A_29 = arith.cmpi ne, %convert_element_type3A_27, %cond3A_28 : i32
    scf.if %cond3A_29 {
      "tpu.region"() ({
        %run_scoped3A = tpu.sem_alloc : memref<!tpu.dma_semaphore, #tpu.memory_space<semaphore_mem>>
        %dma_start3A = arith.constant 0 : i32
        %dma_start3A_35 = tpu.memref_slice %arg6[%arg0, %mul3A_10, %dma_start3A] : memref<2x10000x128xf32, #tpu.memory_space<hbm>> -> memref<1x640x128xf32, #tpu.memory_space<hbm>>
        %dma_start3A_36 = tpu.memref_squeeze %dma_start3A_35 : memref<1x640x128xf32, #tpu.memory_space<hbm>> -> memref<640x128xf32, #tpu.memory_space<hbm>>
        %dma_start3A_37 = arith.constant 0 : i32
        %dma_start3A_38 = tpu.memref_slice %arg11[%mul3A_10, %dma_start3A_37] : memref<10000x128xf32, #tpu.memory_space<vmem_shared>> -> memref<640x128xf32, #tpu.memory_space<vmem_shared>>
        tpu.enqueue_dma source(%dma_start3A_38 : memref<640x128xf32, #tpu.memory_space<vmem_shared>>) target(%dma_start3A_36 : memref<640x128xf32, #tpu.memory_space<hbm>>) target_semaphore(%run_scoped3A : memref<!tpu.dma_semaphore, #tpu.memory_space<semaphore_mem>>)
        %dma_wait3A = arith.constant 0 : i32
        %dma_wait3A_39 = tpu.memref_slice %arg6[%arg0, %mul3A_10, %dma_wait3A] : memref<2x10000x128xf32, #tpu.memory_space<hbm>> -> memref<1x640x128xf32, #tpu.memory_space<hbm>>
        %dma_wait3A_40 = tpu.memref_squeeze %dma_wait3A_39 : memref<1x640x128xf32, #tpu.memory_space<hbm>> -> memref<640x128xf32, #tpu.memory_space<hbm>>
        %dma_wait3A_41 = arith.constant 0 : i32
        %dma_wait3A_42 = tpu.memref_slice %arg11[%mul3A_10, %dma_wait3A_41] : memref<10000x128xf32, #tpu.memory_space<vmem_shared>> -> memref<640x128xf32, #tpu.memory_space<vmem_shared>>
        tpu.wait_dma2 semaphore(%run_scoped3A : memref<!tpu.dma_semaphore, #tpu.memory_space<semaphore_mem>>) src(%dma_wait3A_42 : memref<640x128xf32, #tpu.memory_space<vmem_shared>>) dst(%dma_wait3A_40 : memref<640x128xf32, #tpu.memory_space<hbm>>)
        tpu.yield
      }) : () -> ()
    } else {
    }
    %eq3A_30 = arith.constant 15 : i32
    %eq3A_31 = arith.cmpi eq, %arg1, %eq3A_30 : i32
    %convert_element_type3A_32 = arith.extui %eq3A_31 : i1 to i32
    %cond3A_33 = arith.constant 0 : i32
    %cond3A_34 = arith.cmpi ne, %convert_element_type3A_32, %cond3A_33 : i32
    scf.if %cond3A_34 {
      "tpu.region"() ({
        %run_scoped3A = tpu.sem_alloc : memref<!tpu.dma_semaphore, #tpu.memory_space<semaphore_mem>>
        %dma_start3A = arith.constant 9600 : i32
        %dma_start3A_35 = arith.constant 0 : i32
        %dma_start3A_36 = tpu.memref_slice %arg6[%arg0, %dma_start3A, %dma_start3A_35] : memref<2x10000x128xf32, #tpu.memory_space<hbm>> -> memref<1x400x128xf32, #tpu.memory_space<hbm>>
        %dma_start3A_37 = tpu.memref_squeeze %dma_start3A_36 : memref<1x400x128xf32, #tpu.memory_space<hbm>> -> memref<400x128xf32, #tpu.memory_space<hbm>>
        %dma_start3A_38 = arith.constant 9600 : i32
        %dma_start3A_39 = arith.constant 0 : i32
        %dma_start3A_40 = tpu.memref_slice %arg11[%dma_start3A_38, %dma_start3A_39] : memref<10000x128xf32, #tpu.memory_space<vmem_shared>> -> memref<400x128xf32, #tpu.memory_space<vmem_shared>>
        tpu.enqueue_dma source(%dma_start3A_40 : memref<400x128xf32, #tpu.memory_space<vmem_shared>>) target(%dma_start3A_37 : memref<400x128xf32, #tpu.memory_space<hbm>>) target_semaphore(%run_scoped3A : memref<!tpu.dma_semaphore, #tpu.memory_space<semaphore_mem>>)
        %dma_wait3A = arith.constant 9600 : i32
        %dma_wait3A_41 = arith.constant 0 : i32
        %dma_wait3A_42 = tpu.memref_slice %arg6[%arg0, %dma_wait3A, %dma_wait3A_41] : memref<2x10000x128xf32, #tpu.memory_space<hbm>> -> memref<1x400x128xf32, #tpu.memory_space<hbm>>
        %dma_wait3A_43 = tpu.memref_squeeze %dma_wait3A_42 : memref<1x400x128xf32, #tpu.memory_space<hbm>> -> memref<400x128xf32, #tpu.memory_space<hbm>>
        %dma_wait3A_44 = arith.constant 9600 : i32
        %dma_wait3A_45 = arith.constant 0 : i32
        %dma_wait3A_46 = tpu.memref_slice %arg11[%dma_wait3A_44, %dma_wait3A_45] : memref<10000x128xf32, #tpu.memory_space<vmem_shared>> -> memref<400x128xf32, #tpu.memory_space<vmem_shared>>
        tpu.wait_dma2 semaphore(%run_scoped3A : memref<!tpu.dma_semaphore, #tpu.memory_space<semaphore_mem>>) src(%dma_wait3A_46 : memref<400x128xf32, #tpu.memory_space<vmem_shared>>) dst(%dma_wait3A_43 : memref<400x128xf32, #tpu.memory_space<hbm>>)
        tpu.yield
      }) : () -> ()
    } else {
    }
    return
  }
}

#map = affine_map<(d0, d1) -> (0, 0)>
#map1 = affine_map<(d0, d1) -> (0, 0, 0)>
module attributes {stable_mosaic.version = 14 : i64} {
  func.func @k(%arg0: i32, %arg1: i32, %arg2: memref<10000x128xf32, #tpu.memory_space<hbm>>, %arg3: memref<2560x128xi32, #tpu.memory_space<hbm>>, %arg4: memref<2560x128xi32, #tpu.memory_space<hbm>>, %arg5: memref<320000x128xf32, #tpu.memory_space<hbm>>, %arg6: memref<2x10000x128xf32, #tpu.memory_space<hbm>>, %arg7: memref<8x128xi32, #tpu.memory_space<vmem>>, %arg8: memref<8x128xi32, #tpu.memory_space<vmem>>, %arg9: memref<128x128xf32, #tpu.memory_space<vmem>>, %arg10: memref<128x128xf32, #tpu.memory_space<vmem>>, %arg11: memref<10000x128xf32, #tpu.memory_space<vmem_shared>>, %arg12: memref<!tpu.dma_semaphore, #tpu.memory_space<semaphore_mem>>, %arg13: memref<!tpu.dma_semaphore, #tpu.memory_space<semaphore_mem>>) attributes {dimension_semantics = [#tpu.dimension_semantics<core_parallel>, #tpu.dimension_semantics<subcore_parallel>], iteration_bounds = array<i64: 2, 16>, scalar_prefetch = 0 : i64, scratch_operands = 7 : i64, tpu.core_type = #tpu.core_type<sc_vector_subcore>, window_params = [{transform_indices = #map}, {transform_indices = #map}, {transform_indices = #map}, {transform_indices = #map}, {transform_indices = #map1}]} {
    %mul3A = arith.constant 16 : i32
    %mul3A_0 = arith.muli %arg0, %mul3A : i32
    %add3A = arith.addi %mul3A_0, %arg1 : i32
    %mul3A_1 = arith.constant 80 : i32
    %mul3A_2 = arith.muli %add3A, %mul3A_1 : i32
    %scan3A = arith.constant 0 : i32
    %scan3A_3 = arith.constant 0 : i32
    %scan3A_4 = arith.constant 128 : i32
    %scan3A_5 = arith.addi %scan3A_3, %scan3A_4 : i32
    %scan3A_6 = arith.constant 1 : i32
    %scan3A_7 = scf.for %scan3A_35 = %scan3A_3 to %scan3A_5 step %scan3A_6 iter_args(%scan3A_36 = %scan3A) -> (i32)  : i32 {
      %broadcast_in_dim3A = arith.constant 0.000000e+00 : f32
      %broadcast_in_dim3A_37 = vector.broadcast %broadcast_in_dim3A : f32 to vector<16xf32>
      %swap3A = arith.index_cast %scan3A_35 : i32 to index
      %swap3A_38 = arith.constant 0 : index
      %swap3A_39 = tpu.vector_load %arg10[%swap3A, %swap3A_38] {strides = array<i32>} : memref<128x128xf32, #tpu.memory_space<vmem>>, vector<1x16xf32>,
      %swap3A_40 = vector.shape_cast %swap3A_39 : vector<1x16xf32> to vector<16xf32>
      %swap3A_41 = vector.shape_cast %broadcast_in_dim3A_37 : vector<16xf32> to vector<1x16xf32>
      tpu.vector_store %arg10[%swap3A, %swap3A_38], %swap3A_41 {strides = array<i32>} : memref<128x128xf32, #tpu.memory_space<vmem>>, vector<1x16xf32>,
      %broadcast_in_dim3A_42 = arith.constant 0.000000e+00 : f32
      %broadcast_in_dim3A_43 = vector.broadcast %broadcast_in_dim3A_42 : f32 to vector<16xf32>
      %swap3A_44 = arith.index_cast %scan3A_35 : i32 to index
      %swap3A_45 = arith.constant 16 : index
      %swap3A_46 = tpu.vector_load %arg10[%swap3A_44, %swap3A_45] {strides = array<i32>} : memref<128x128xf32, #tpu.memory_space<vmem>>, vector<1x16xf32>,
      %swap3A_47 = vector.shape_cast %swap3A_46 : vector<1x16xf32> to vector<16xf32>
      %swap3A_48 = vector.shape_cast %broadcast_in_dim3A_43 : vector<16xf32> to vector<1x16xf32>
      tpu.vector_store %arg10[%swap3A_44, %swap3A_45], %swap3A_48 {strides = array<i32>} : memref<128x128xf32, #tpu.memory_space<vmem>>, vector<1x16xf32>,
      %broadcast_in_dim3A_49 = arith.constant 0.000000e+00 : f32
      %broadcast_in_dim3A_50 = vector.broadcast %broadcast_in_dim3A_49 : f32 to vector<16xf32>
      %swap3A_51 = arith.index_cast %scan3A_35 : i32 to index
      %swap3A_52 = arith.constant 32 : index
      %swap3A_53 = tpu.vector_load %arg10[%swap3A_51, %swap3A_52] {strides = array<i32>} : memref<128x128xf32, #tpu.memory_space<vmem>>, vector<1x16xf32>,
      %swap3A_54 = vector.shape_cast %swap3A_53 : vector<1x16xf32> to vector<16xf32>
      %swap3A_55 = vector.shape_cast %broadcast_in_dim3A_50 : vector<16xf32> to vector<1x16xf32>
      tpu.vector_store %arg10[%swap3A_51, %swap3A_52], %swap3A_55 {strides = array<i32>} : memref<128x128xf32, #tpu.memory_space<vmem>>, vector<1x16xf32>,
      %broadcast_in_dim3A_56 = arith.constant 0.000000e+00 : f32
      %broadcast_in_dim3A_57 = vector.broadcast %broadcast_in_dim3A_56 : f32 to vector<16xf32>
      %swap3A_58 = arith.index_cast %scan3A_35 : i32 to index
      %swap3A_59 = arith.constant 48 : index
      %swap3A_60 = tpu.vector_load %arg10[%swap3A_58, %swap3A_59] {strides = array<i32>} : memref<128x128xf32, #tpu.memory_space<vmem>>, vector<1x16xf32>,
      %swap3A_61 = vector.shape_cast %swap3A_60 : vector<1x16xf32> to vector<16xf32>
      %swap3A_62 = vector.shape_cast %broadcast_in_dim3A_57 : vector<16xf32> to vector<1x16xf32>
      tpu.vector_store %arg10[%swap3A_58, %swap3A_59], %swap3A_62 {strides = array<i32>} : memref<128x128xf32, #tpu.memory_space<vmem>>, vector<1x16xf32>,
      %broadcast_in_dim3A_63 = arith.constant 0.000000e+00 : f32
      %broadcast_in_dim3A_64 = vector.broadcast %broadcast_in_dim3A_63 : f32 to vector<16xf32>
      %swap3A_65 = arith.index_cast %scan3A_35 : i32 to index
      %swap3A_66 = arith.constant 64 : index
      %swap3A_67 = tpu.vector_load %arg10[%swap3A_65, %swap3A_66] {strides = array<i32>} : memref<128x128xf32, #tpu.memory_space<vmem>>, vector<1x16xf32>,
      %swap3A_68 = vector.shape_cast %swap3A_67 : vector<1x16xf32> to vector<16xf32>
      %swap3A_69 = vector.shape_cast %broadcast_in_dim3A_64 : vector<16xf32> to vector<1x16xf32>
      tpu.vector_store %arg10[%swap3A_65, %swap3A_66], %swap3A_69 {strides = array<i32>} : memref<128x128xf32, #tpu.memory_space<vmem>>, vector<1x16xf32>,
      %broadcast_in_dim3A_70 = arith.constant 0.000000e+00 : f32
      %broadcast_in_dim3A_71 = vector.broadcast %broadcast_in_dim3A_70 : f32 to vector<16xf32>
      %swap3A_72 = arith.index_cast %scan3A_35 : i32 to index
      %swap3A_73 = arith.constant 80 : index
      %swap3A_74 = tpu.vector_load %arg10[%swap3A_72, %swap3A_73] {strides = array<i32>} : memref<128x128xf32, #tpu.memory_space<vmem>>, vector<1x16xf32>,
      %swap3A_75 = vector.shape_cast %swap3A_74 : vector<1x16xf32> to vector<16xf32>
      %swap3A_76 = vector.shape_cast %broadcast_in_dim3A_71 : vector<16xf32> to vector<1x16xf32>
      tpu.vector_store %arg10[%swap3A_72, %swap3A_73], %swap3A_76 {strides = array<i32>} : memref<128x128xf32, #tpu.memory_space<vmem>>, vector<1x16xf32>,
      %broadcast_in_dim3A_77 = arith.constant 0.000000e+00 : f32
      %broadcast_in_dim3A_78 = vector.broadcast %broadcast_in_dim3A_77 : f32 to vector<16xf32>
      %swap3A_79 = arith.index_cast %scan3A_35 : i32 to index
      %swap3A_80 = arith.constant 96 : index
      %swap3A_81 = tpu.vector_load %arg10[%swap3A_79, %swap3A_80] {strides = array<i32>} : memref<128x128xf32, #tpu.memory_space<vmem>>, vector<1x16xf32>,
      %swap3A_82 = vector.shape_cast %swap3A_81 : vector<1x16xf32> to vector<16xf32>
      %swap3A_83 = vector.shape_cast %broadcast_in_dim3A_78 : vector<16xf32> to vector<1x16xf32>
      tpu.vector_store %arg10[%swap3A_79, %swap3A_80], %swap3A_83 {strides = array<i32>} : memref<128x128xf32, #tpu.memory_space<vmem>>, vector<1x16xf32>,
      %broadcast_in_dim3A_84 = arith.constant 0.000000e+00 : f32
      %broadcast_in_dim3A_85 = vector.broadcast %broadcast_in_dim3A_84 : f32 to vector<16xf32>
      %swap3A_86 = arith.index_cast %scan3A_35 : i32 to index
      %swap3A_87 = arith.constant 112 : index
      %swap3A_88 = tpu.vector_load %arg10[%swap3A_86, %swap3A_87] {strides = array<i32>} : memref<128x128xf32, #tpu.memory_space<vmem>>, vector<1x16xf32>,
      %swap3A_89 = vector.shape_cast %swap3A_88 : vector<1x16xf32> to vector<16xf32>
      %swap3A_90 = vector.shape_cast %broadcast_in_dim3A_85 : vector<16xf32> to vector<1x16xf32>
      tpu.vector_store %arg10[%swap3A_86, %swap3A_87], %swap3A_90 {strides = array<i32>} : memref<128x128xf32, #tpu.memory_space<vmem>>, vector<1x16xf32>,
      %scan3A_91 = arith.constant 0 : i32
      scf.yield %scan3A_91 : i32
    }
    %scan3A_8 = arith.constant 128 : i32
    %mul3A_9 = arith.constant 640 : i32
    %mul3A_10 = arith.muli %arg1, %mul3A_9 : i32
    %lt3A = arith.constant 15 : i32
    %lt3A_11 = arith.cmpi slt, %arg1, %lt3A : i32
    %convert_element_type3A = arith.extui %lt3A_11 : i1 to i32
    %cond3A = arith.constant 0 : i32
    %cond3A_12 = arith.cmpi ne, %convert_element_type3A, %cond3A : i32
    scf.if %cond3A_12 {
      %add3A_35 = arith.constant 0 : i32
      %add3A_36 = arith.addi %mul3A_10, %add3A_35 : i32
      "tpu.region"() ({
        %run_scoped3A = tpu.sem_alloc : memref<!tpu.dma_semaphore, #tpu.memory_space<semaphore_mem>>
        %dma_start3A = arith.constant 0 : i32
        %dma_start3A_45 = tpu.memref_slice %arg11[%add3A_36, %dma_start3A] : memref<10000x128xf32, #tpu.memory_space<vmem_shared>> -> memref<128x128xf32, #tpu.memory_space<vmem_shared>>
        %dma_start3A_46 = arith.constant 0 : i32
        %dma_start3A_47 = tpu.memref_slice %arg11[%add3A_36, %dma_start3A_46] : memref<10000x128xf32, #tpu.memory_space<vmem_shared>> -> memref<128x128xf32, #tpu.memory_space<vmem_shared>>
        tpu.enqueue_dma source(%arg10 : memref<128x128xf32, #tpu.memory_space<vmem>>) target(%dma_start3A_47 : memref<128x128xf32, #tpu.memory_space<vmem_shared>>) target_semaphore(%run_scoped3A : memref<!tpu.dma_semaphore, #tpu.memory_space<semaphore_mem>>)
        %dma_wait3A = arith.constant 0 : i32
        %dma_wait3A_48 = tpu.memref_slice %arg11[%add3A_36, %dma_wait3A] : memref<10000x128xf32, #tpu.memory_space<vmem_shared>> -> memref<128x128xf32, #tpu.memory_space<vmem_shared>>
        %dma_wait3A_49 = arith.constant 0 : i32
        %dma_wait3A_50 = tpu.memref_slice %arg11[%add3A_36, %dma_wait3A_49] : memref<10000x128xf32, #tpu.memory_space<vmem_shared>> -> memref<128x128xf32, #tpu.memory_space<vmem_shared>>
        tpu.wait_dma2 semaphore(%run_scoped3A : memref<!tpu.dma_semaphore, #tpu.memory_space<semaphore_mem>>) src(%arg10 : memref<128x128xf32, #tpu.memory_space<vmem>>) dst(%dma_wait3A_50 : memref<128x128xf32, #tpu.memory_space<vmem_shared>>)
        tpu.yield
      }) : () -> ()
      %add3A_37 = arith.constant 128 : i32
      %add3A_38 = arith.addi %mul3A_10, %add3A_37 : i32
      "tpu.region"() ({
        %run_scoped3A = tpu.sem_alloc : memref<!tpu.dma_semaphore, #tpu.memory_space<semaphore_mem>>
        %dma_start3A = arith.constant 0 : i32
        %dma_start3A_45 = tpu.memref_slice %arg11[%add3A_38, %dma_start3A] : memref<10000x128xf32, #tpu.memory_space<vmem_shared>> -> memref<128x128xf32, #tpu.memory_space<vmem_shared>>
        %dma_start3A_46 = arith.constant 0 : i32
        %dma_start3A_47 = tpu.memref_slice %arg11[%add3A_38, %dma_start3A_46] : memref<10000x128xf32, #tpu.memory_space<vmem_shared>> -> memref<128x128xf32, #tpu.memory_space<vmem_shared>>
        tpu.enqueue_dma source(%arg10 : memref<128x128xf32, #tpu.memory_space<vmem>>) target(%dma_start3A_47 : memref<128x128xf32, #tpu.memory_space<vmem_shared>>) target_semaphore(%run_scoped3A : memref<!tpu.dma_semaphore, #tpu.memory_space<semaphore_mem>>)
        %dma_wait3A = arith.constant 0 : i32
        %dma_wait3A_48 = tpu.memref_slice %arg11[%add3A_38, %dma_wait3A] : memref<10000x128xf32, #tpu.memory_space<vmem_shared>> -> memref<128x128xf32, #tpu.memory_space<vmem_shared>>
        %dma_wait3A_49 = arith.constant 0 : i32
        %dma_wait3A_50 = tpu.memref_slice %arg11[%add3A_38, %dma_wait3A_49] : memref<10000x128xf32, #tpu.memory_space<vmem_shared>> -> memref<128x128xf32, #tpu.memory_space<vmem_shared>>
        tpu.wait_dma2 semaphore(%run_scoped3A : memref<!tpu.dma_semaphore, #tpu.memory_space<semaphore_mem>>) src(%arg10 : memref<128x128xf32, #tpu.memory_space<vmem>>) dst(%dma_wait3A_50 : memref<128x128xf32, #tpu.memory_space<vmem_shared>>)
        tpu.yield
      }) : () -> ()
      %add3A_39 = arith.constant 256 : i32
      %add3A_40 = arith.addi %mul3A_10, %add3A_39 : i32
      "tpu.region"() ({
        %run_scoped3A = tpu.sem_alloc : memref<!tpu.dma_semaphore, #tpu.memory_space<semaphore_mem>>
        %dma_start3A = arith.constant 0 : i32
        %dma_start3A_45 = tpu.memref_slice %arg11[%add3A_40, %dma_start3A] : memref<10000x128xf32, #tpu.memory_space<vmem_shared>> -> memref<128x128xf32, #tpu.memory_space<vmem_shared>>
        %dma_start3A_46 = arith.constant 0 : i32
        %dma_start3A_47 = tpu.memref_slice %arg11[%add3A_40, %dma_start3A_46] : memref<10000x128xf32, #tpu.memory_space<vmem_shared>> -> memref<128x128xf32, #tpu.memory_space<vmem_shared>>
        tpu.enqueue_dma source(%arg10 : memref<128x128xf32, #tpu.memory_space<vmem>>) target(%dma_start3A_47 : memref<128x128xf32, #tpu.memory_space<vmem_shared>>) target_semaphore(%run_scoped3A : memref<!tpu.dma_semaphore, #tpu.memory_space<semaphore_mem>>)
        %dma_wait3A = arith.constant 0 : i32
        %dma_wait3A_48 = tpu.memref_slice %arg11[%add3A_40, %dma_wait3A] : memref<10000x128xf32, #tpu.memory_space<vmem_shared>> -> memref<128x128xf32, #tpu.memory_space<vmem_shared>>
        %dma_wait3A_49 = arith.constant 0 : i32
        %dma_wait3A_50 = tpu.memref_slice %arg11[%add3A_40, %dma_wait3A_49] : memref<10000x128xf32, #tpu.memory_space<vmem_shared>> -> memref<128x128xf32, #tpu.memory_space<vmem_shared>>
        tpu.wait_dma2 semaphore(%run_scoped3A : memref<!tpu.dma_semaphore, #tpu.memory_space<semaphore_mem>>) src(%arg10 : memref<128x128xf32, #tpu.memory_space<vmem>>) dst(%dma_wait3A_50 : memref<128x128xf32, #tpu.memory_space<vmem_shared>>)
        tpu.yield
      }) : () -> ()
      %add3A_41 = arith.constant 384 : i32
      %add3A_42 = arith.addi %mul3A_10, %add3A_41 : i32
      "tpu.region"() ({
        %run_scoped3A = tpu.sem_alloc : memref<!tpu.dma_semaphore, #tpu.memory_space<semaphore_mem>>
        %dma_start3A = arith.constant 0 : i32
        %dma_start3A_45 = tpu.memref_slice %arg11[%add3A_42, %dma_start3A] : memref<10000x128xf32, #tpu.memory_space<vmem_shared>> -> memref<128x128xf32, #tpu.memory_space<vmem_shared>>
        %dma_start3A_46 = arith.constant 0 : i32
        %dma_start3A_47 = tpu.memref_slice %arg11[%add3A_42, %dma_start3A_46] : memref<10000x128xf32, #tpu.memory_space<vmem_shared>> -> memref<128x128xf32, #tpu.memory_space<vmem_shared>>
        tpu.enqueue_dma source(%arg10 : memref<128x128xf32, #tpu.memory_space<vmem>>) target(%dma_start3A_47 : memref<128x128xf32, #tpu.memory_space<vmem_shared>>) target_semaphore(%run_scoped3A : memref<!tpu.dma_semaphore, #tpu.memory_space<semaphore_mem>>)
        %dma_wait3A = arith.constant 0 : i32
        %dma_wait3A_48 = tpu.memref_slice %arg11[%add3A_42, %dma_wait3A] : memref<10000x128xf32, #tpu.memory_space<vmem_shared>> -> memref<128x128xf32, #tpu.memory_space<vmem_shared>>
        %dma_wait3A_49 = arith.constant 0 : i32
        %dma_wait3A_50 = tpu.memref_slice %arg11[%add3A_42, %dma_wait3A_49] : memref<10000x128xf32, #tpu.memory_space<vmem_shared>> -> memref<128x128xf32, #tpu.memory_space<vmem_shared>>
        tpu.wait_dma2 semaphore(%run_scoped3A : memref<!tpu.dma_semaphore, #tpu.memory_space<semaphore_mem>>) src(%arg10 : memref<128x128xf32, #tpu.memory_space<vmem>>) dst(%dma_wait3A_50 : memref<128x128xf32, #tpu.memory_space<vmem_shared>>)
        tpu.yield
      }) : () -> ()
      %add3A_43 = arith.constant 512 : i32
      %add3A_44 = arith.addi %mul3A_10, %add3A_43 : i32
      "tpu.region"() ({
        %run_scoped3A = tpu.sem_alloc : memref<!tpu.dma_semaphore, #tpu.memory_space<semaphore_mem>>
        %dma_start3A = arith.constant 0 : i32
        %dma_start3A_45 = tpu.memref_slice %arg11[%add3A_44, %dma_start3A] : memref<10000x128xf32, #tpu.memory_space<vmem_shared>> -> memref<128x128xf32, #tpu.memory_space<vmem_shared>>
        %dma_start3A_46 = arith.constant 0 : i32
        %dma_start3A_47 = tpu.memref_slice %arg11[%add3A_44, %dma_start3A_46] : memref<10000x128xf32, #tpu.memory_space<vmem_shared>> -> memref<128x128xf32, #tpu.memory_space<vmem_shared>>
        tpu.enqueue_dma source(%arg10 : memref<128x128xf32, #tpu.memory_space<vmem>>) target(%dma_start3A_47 : memref<128x128xf32, #tpu.memory_space<vmem_shared>>) target_semaphore(%run_scoped3A : memref<!tpu.dma_semaphore, #tpu.memory_space<semaphore_mem>>)
        %dma_wait3A = arith.constant 0 : i32
        %dma_wait3A_48 = tpu.memref_slice %arg11[%add3A_44, %dma_wait3A] : memref<10000x128xf32, #tpu.memory_space<vmem_shared>> -> memref<128x128xf32, #tpu.memory_space<vmem_shared>>
        %dma_wait3A_49 = arith.constant 0 : i32
        %dma_wait3A_50 = tpu.memref_slice %arg11[%add3A_44, %dma_wait3A_49] : memref<10000x128xf32, #tpu.memory_space<vmem_shared>> -> memref<128x128xf32, #tpu.memory_space<vmem_shared>>
        tpu.wait_dma2 semaphore(%run_scoped3A : memref<!tpu.dma_semaphore, #tpu.memory_space<semaphore_mem>>) src(%arg10 : memref<128x128xf32, #tpu.memory_space<vmem>>) dst(%dma_wait3A_50 : memref<128x128xf32, #tpu.memory_space<vmem_shared>>)
        tpu.yield
      }) : () -> ()
    } else {
    }
    %eq3A = arith.constant 15 : i32
    %eq3A_13 = arith.cmpi eq, %arg1, %eq3A : i32
    %convert_element_type3A_14 = arith.extui %eq3A_13 : i1 to i32
    %cond3A_15 = arith.constant 0 : i32
    %cond3A_16 = arith.cmpi ne, %convert_element_type3A_14, %cond3A_15 : i32
    scf.if %cond3A_16 {
      "tpu.region"() ({
        %run_scoped3A = tpu.sem_alloc : memref<!tpu.dma_semaphore, #tpu.memory_space<semaphore_mem>>
        %dma_start3A = arith.constant 9600 : i32
        %dma_start3A_35 = arith.constant 0 : i32
        %dma_start3A_36 = tpu.memref_slice %arg11[%dma_start3A, %dma_start3A_35] : memref<10000x128xf32, #tpu.memory_space<vmem_shared>> -> memref<128x128xf32, #tpu.memory_space<vmem_shared>>
        %dma_start3A_37 = arith.constant 9600 : i32
        %dma_start3A_38 = arith.constant 0 : i32
        %dma_start3A_39 = tpu.memref_slice %arg11[%dma_start3A_37, %dma_start3A_38] : memref<10000x128xf32, #tpu.memory_space<vmem_shared>> -> memref<128x128xf32, #tpu.memory_space<vmem_shared>>
        tpu.enqueue_dma source(%arg10 : memref<128x128xf32, #tpu.memory_space<vmem>>) target(%dma_start3A_39 : memref<128x128xf32, #tpu.memory_space<vmem_shared>>) target_semaphore(%run_scoped3A : memref<!tpu.dma_semaphore, #tpu.memory_space<semaphore_mem>>)
        %dma_wait3A = arith.constant 9600 : i32
        %dma_wait3A_40 = arith.constant 0 : i32
        %dma_wait3A_41 = tpu.memref_slice %arg11[%dma_wait3A, %dma_wait3A_40] : memref<10000x128xf32, #tpu.memory_space<vmem_shared>> -> memref<128x128xf32, #tpu.memory_space<vmem_shared>>
        %dma_wait3A_42 = arith.constant 9600 : i32
        %dma_wait3A_43 = arith.constant 0 : i32
        %dma_wait3A_44 = tpu.memref_slice %arg11[%dma_wait3A_42, %dma_wait3A_43] : memref<10000x128xf32, #tpu.memory_space<vmem_shared>> -> memref<128x128xf32, #tpu.memory_space<vmem_shared>>
        tpu.wait_dma2 semaphore(%run_scoped3A : memref<!tpu.dma_semaphore, #tpu.memory_space<semaphore_mem>>) src(%arg10 : memref<128x128xf32, #tpu.memory_space<vmem>>) dst(%dma_wait3A_44 : memref<128x128xf32, #tpu.memory_space<vmem_shared>>)
        tpu.yield
      }) : () -> ()
      "tpu.region"() ({
        %run_scoped3A = tpu.sem_alloc : memref<!tpu.dma_semaphore, #tpu.memory_space<semaphore_mem>>
        %dma_start3A = arith.constant 9728 : i32
        %dma_start3A_35 = arith.constant 0 : i32
        %dma_start3A_36 = tpu.memref_slice %arg11[%dma_start3A, %dma_start3A_35] : memref<10000x128xf32, #tpu.memory_space<vmem_shared>> -> memref<128x128xf32, #tpu.memory_space<vmem_shared>>
        %dma_start3A_37 = arith.constant 9728 : i32
        %dma_start3A_38 = arith.constant 0 : i32
        %dma_start3A_39 = tpu.memref_slice %arg11[%dma_start3A_37, %dma_start3A_38] : memref<10000x128xf32, #tpu.memory_space<vmem_shared>> -> memref<128x128xf32, #tpu.memory_space<vmem_shared>>
        tpu.enqueue_dma source(%arg10 : memref<128x128xf32, #tpu.memory_space<vmem>>) target(%dma_start3A_39 : memref<128x128xf32, #tpu.memory_space<vmem_shared>>) target_semaphore(%run_scoped3A : memref<!tpu.dma_semaphore, #tpu.memory_space<semaphore_mem>>)
        %dma_wait3A = arith.constant 9728 : i32
        %dma_wait3A_40 = arith.constant 0 : i32
        %dma_wait3A_41 = tpu.memref_slice %arg11[%dma_wait3A, %dma_wait3A_40] : memref<10000x128xf32, #tpu.memory_space<vmem_shared>> -> memref<128x128xf32, #tpu.memory_space<vmem_shared>>
        %dma_wait3A_42 = arith.constant 9728 : i32
        %dma_wait3A_43 = arith.constant 0 : i32
        %dma_wait3A_44 = tpu.memref_slice %arg11[%dma_wait3A_42, %dma_wait3A_43] : memref<10000x128xf32, #tpu.memory_space<vmem_shared>> -> memref<128x128xf32, #tpu.memory_space<vmem_shared>>
        tpu.wait_dma2 semaphore(%run_scoped3A : memref<!tpu.dma_semaphore, #tpu.memory_space<semaphore_mem>>) src(%arg10 : memref<128x128xf32, #tpu.memory_space<vmem>>) dst(%dma_wait3A_44 : memref<128x128xf32, #tpu.memory_space<vmem_shared>>)
        tpu.yield
      }) : () -> ()
      "tpu.region"() ({
        %run_scoped3A = tpu.sem_alloc : memref<!tpu.dma_semaphore, #tpu.memory_space<semaphore_mem>>
        %dma_start3A = arith.constant 9856 : i32
        %dma_start3A_35 = arith.constant 0 : i32
        %dma_start3A_36 = tpu.memref_slice %arg11[%dma_start3A, %dma_start3A_35] : memref<10000x128xf32, #tpu.memory_space<vmem_shared>> -> memref<128x128xf32, #tpu.memory_space<vmem_shared>>
        %dma_start3A_37 = arith.constant 9856 : i32
        %dma_start3A_38 = arith.constant 0 : i32
        %dma_start3A_39 = tpu.memref_slice %arg11[%dma_start3A_37, %dma_start3A_38] : memref<10000x128xf32, #tpu.memory_space<vmem_shared>> -> memref<128x128xf32, #tpu.memory_space<vmem_shared>>
        tpu.enqueue_dma source(%arg10 : memref<128x128xf32, #tpu.memory_space<vmem>>) target(%dma_start3A_39 : memref<128x128xf32, #tpu.memory_space<vmem_shared>>) target_semaphore(%run_scoped3A : memref<!tpu.dma_semaphore, #tpu.memory_space<semaphore_mem>>)
        %dma_wait3A = arith.constant 9856 : i32
        %dma_wait3A_40 = arith.constant 0 : i32
        %dma_wait3A_41 = tpu.memref_slice %arg11[%dma_wait3A, %dma_wait3A_40] : memref<10000x128xf32, #tpu.memory_space<vmem_shared>> -> memref<128x128xf32, #tpu.memory_space<vmem_shared>>
        %dma_wait3A_42 = arith.constant 9856 : i32
        %dma_wait3A_43 = arith.constant 0 : i32
        %dma_wait3A_44 = tpu.memref_slice %arg11[%dma_wait3A_42, %dma_wait3A_43] : memref<10000x128xf32, #tpu.memory_space<vmem_shared>> -> memref<128x128xf32, #tpu.memory_space<vmem_shared>>
        tpu.wait_dma2 semaphore(%run_scoped3A : memref<!tpu.dma_semaphore, #tpu.memory_space<semaphore_mem>>) src(%arg10 : memref<128x128xf32, #tpu.memory_space<vmem>>) dst(%dma_wait3A_44 : memref<128x128xf32, #tpu.memory_space<vmem_shared>>)
        tpu.yield
      }) : () -> ()
      "tpu.region"() ({
        %run_scoped3A = tpu.sem_alloc : memref<!tpu.dma_semaphore, #tpu.memory_space<semaphore_mem>>
        %dma_start3A = arith.constant 0 : i32
        %dma_start3A_35 = arith.constant 0 : i32
        %dma_start3A_36 = tpu.memref_slice %arg10[%dma_start3A, %dma_start3A_35] : memref<128x128xf32, #tpu.memory_space<vmem>> -> memref<16x128xf32, #tpu.memory_space<vmem>>
        %dma_start3A_37 = arith.constant 9984 : i32
        %dma_start3A_38 = arith.constant 0 : i32
        %dma_start3A_39 = tpu.memref_slice %arg11[%dma_start3A_37, %dma_start3A_38] : memref<10000x128xf32, #tpu.memory_space<vmem_shared>> -> memref<16x128xf32, #tpu.memory_space<vmem_shared>>
        %dma_start3A_40 = arith.constant 9984 : i32
        %dma_start3A_41 = arith.constant 0 : i32
        %dma_start3A_42 = tpu.memref_slice %arg11[%dma_start3A_40, %dma_start3A_41] : memref<10000x128xf32, #tpu.memory_space<vmem_shared>> -> memref<16x128xf32, #tpu.memory_space<vmem_shared>>
        %dma_start3A_43 = arith.constant 0 : i32
        %dma_start3A_44 = arith.constant 0 : i32
        %dma_start3A_45 = tpu.memref_slice %arg10[%dma_start3A_43, %dma_start3A_44] : memref<128x128xf32, #tpu.memory_space<vmem>> -> memref<16x128xf32, #tpu.memory_space<vmem>>
        tpu.enqueue_dma source(%dma_start3A_45 : memref<16x128xf32, #tpu.memory_space<vmem>>) target(%dma_start3A_42 : memref<16x128xf32, #tpu.memory_space<vmem_shared>>) target_semaphore(%run_scoped3A : memref<!tpu.dma_semaphore, #tpu.memory_space<semaphore_mem>>)
        %dma_wait3A = arith.constant 0 : i32
        %dma_wait3A_46 = arith.constant 0 : i32
        %dma_wait3A_47 = tpu.memref_slice %arg10[%dma_wait3A, %dma_wait3A_46] : memref<128x128xf32, #tpu.memory_space<vmem>> -> memref<16x128xf32, #tpu.memory_space<vmem>>
        %dma_wait3A_48 = arith.constant 9984 : i32
        %dma_wait3A_49 = arith.constant 0 : i32
        %dma_wait3A_50 = tpu.memref_slice %arg11[%dma_wait3A_48, %dma_wait3A_49] : memref<10000x128xf32, #tpu.memory_space<vmem_shared>> -> memref<16x128xf32, #tpu.memory_space<vmem_shared>>
        %dma_wait3A_51 = arith.constant 9984 : i32
        %dma_wait3A_52 = arith.constant 0 : i32
        %dma_wait3A_53 = tpu.memref_slice %arg11[%dma_wait3A_51, %dma_wait3A_52] : memref<10000x128xf32, #tpu.memory_space<vmem_shared>> -> memref<16x128xf32, #tpu.memory_space<vmem_shared>>
        %dma_wait3A_54 = arith.constant 0 : i32
        %dma_wait3A_55 = arith.constant 0 : i32
        %dma_wait3A_56 = tpu.memref_slice %arg10[%dma_wait3A_54, %dma_wait3A_55] : memref<128x128xf32, #tpu.memory_space<vmem>> -> memref<16x128xf32, #tpu.memory_space<vmem>>
        tpu.wait_dma2 semaphore(%run_scoped3A : memref<!tpu.dma_semaphore, #tpu.memory_space<semaphore_mem>>) src(%dma_wait3A_56 : memref<16x128xf32, #tpu.memory_space<vmem>>) dst(%dma_wait3A_53 : memref<16x128xf32, #tpu.memory_space<vmem_shared>>)
        tpu.yield
      }) : () -> ()
    } else {
    }
    %barrier3A = arith.constant 0 : index
    tpu.barrier barrier_id(%barrier3A)
    %scan3A_17 = arith.constant 0 : i32
    %scan3A_18 = arith.constant 0 : i32
    %scan3A_19 = arith.constant 10 : i32
    %scan3A_20 = arith.addi %scan3A_18, %scan3A_19 : i32
    %scan3A_21 = arith.constant 1 : i32
    %scan3A_22 = scf.for %scan3A_35 = %scan3A_18 to %scan3A_20 step %scan3A_21 iter_args(%scan3A_36 = %scan3A_17) -> (i32)  : i32 {
      %mul3A_37 = arith.constant 8 : i32
      %mul3A_38 = arith.muli %scan3A_35, %mul3A_37 : i32
      %add3A_39 = arith.addi %mul3A_2, %mul3A_38 : i32
      "tpu.region"() ({
        %run_scoped3A = tpu.sem_alloc : memref<!tpu.dma_semaphore, #tpu.memory_space<semaphore_mem>>
        %dma_start3A = arith.constant 0 : i32
        %dma_start3A_48 = tpu.memref_slice %arg3[%add3A_39, %dma_start3A] : memref<2560x128xi32, #tpu.memory_space<hbm>> -> memref<8x128xi32, #tpu.memory_space<hbm>>
        %dma_start3A_49 = arith.constant 0 : i32
        %dma_start3A_50 = tpu.memref_slice %arg3[%add3A_39, %dma_start3A_49] : memref<2560x128xi32, #tpu.memory_space<hbm>> -> memref<8x128xi32, #tpu.memory_space<hbm>>
        tpu.enqueue_dma source(%dma_start3A_50 : memref<8x128xi32, #tpu.memory_space<hbm>>) target(%arg7 : memref<8x128xi32, #tpu.memory_space<vmem>>) target_semaphore(%run_scoped3A : memref<!tpu.dma_semaphore, #tpu.memory_space<semaphore_mem>>)
        %dma_wait3A = arith.constant 0 : i32
        %dma_wait3A_51 = tpu.memref_slice %arg3[%add3A_39, %dma_wait3A] : memref<2560x128xi32, #tpu.memory_space<hbm>> -> memref<8x128xi32, #tpu.memory_space<hbm>>
        %dma_wait3A_52 = arith.constant 0 : i32
        %dma_wait3A_53 = tpu.memref_slice %arg3[%add3A_39, %dma_wait3A_52] : memref<2560x128xi32, #tpu.memory_space<hbm>> -> memref<8x128xi32, #tpu.memory_space<hbm>>
        tpu.wait_dma2 semaphore(%run_scoped3A : memref<!tpu.dma_semaphore, #tpu.memory_space<semaphore_mem>>) src(%dma_wait3A_53 : memref<8x128xi32, #tpu.memory_space<hbm>>) dst(%arg7 : memref<8x128xi32, #tpu.memory_space<vmem>>)
        tpu.yield
      }) : () -> ()
      "tpu.region"() ({
        %run_scoped3A = tpu.sem_alloc : memref<!tpu.dma_semaphore, #tpu.memory_space<semaphore_mem>>
        %dma_start3A = arith.constant 0 : i32
        %dma_start3A_48 = tpu.memref_slice %arg4[%add3A_39, %dma_start3A] : memref<2560x128xi32, #tpu.memory_space<hbm>> -> memref<8x128xi32, #tpu.memory_space<hbm>>
        %dma_start3A_49 = arith.constant 0 : i32
        %dma_start3A_50 = tpu.memref_slice %arg4[%add3A_39, %dma_start3A_49] : memref<2560x128xi32, #tpu.memory_space<hbm>> -> memref<8x128xi32, #tpu.memory_space<hbm>>
        tpu.enqueue_dma source(%dma_start3A_50 : memref<8x128xi32, #tpu.memory_space<hbm>>) target(%arg8 : memref<8x128xi32, #tpu.memory_space<vmem>>) target_semaphore(%run_scoped3A : memref<!tpu.dma_semaphore, #tpu.memory_space<semaphore_mem>>)
        %dma_wait3A = arith.constant 0 : i32
        %dma_wait3A_51 = tpu.memref_slice %arg4[%add3A_39, %dma_wait3A] : memref<2560x128xi32, #tpu.memory_space<hbm>> -> memref<8x128xi32, #tpu.memory_space<hbm>>
        %dma_wait3A_52 = arith.constant 0 : i32
        %dma_wait3A_53 = tpu.memref_slice %arg4[%add3A_39, %dma_wait3A_52] : memref<2560x128xi32, #tpu.memory_space<hbm>> -> memref<8x128xi32, #tpu.memory_space<hbm>>
        tpu.wait_dma2 semaphore(%run_scoped3A : memref<!tpu.dma_semaphore, #tpu.memory_space<semaphore_mem>>) src(%dma_wait3A_53 : memref<8x128xi32, #tpu.memory_space<hbm>>) dst(%arg8 : memref<8x128xi32, #tpu.memory_space<vmem>>)
        tpu.yield
      }) : () -> ()
      %scan3A_40 = arith.constant 0 : i32
      %scan3A_41 = arith.constant 0 : i32
      %scan3A_42 = arith.constant 8 : i32
      %scan3A_43 = arith.addi %scan3A_41, %scan3A_42 : i32
      %scan3A_44 = arith.constant 1 : i32
      %scan3A_45 = scf.for %scan3A_48 = %scan3A_41 to %scan3A_43 step %scan3A_44 iter_args(%scan3A_49 = %scan3A_40) -> (i32)  : i32 {
        %add3A_50 = arith.addi %add3A_39, %scan3A_48 : i32
        %lt3A_51 = arith.constant 2500 : i32
        %lt3A_52 = arith.cmpi slt, %add3A_50, %lt3A_51 : i32
        %convert_element_type3A_53 = arith.extui %lt3A_52 : i1 to i32
        %cond3A_54 = arith.constant 0 : i32
        %cond3A_55 = arith.cmpi ne, %convert_element_type3A_53, %cond3A_54 : i32
        scf.if %cond3A_55 {
          %mul3A_57 = arith.constant 128 : i32
          %mul3A_58 = arith.muli %add3A_50, %mul3A_57 : i32
          %dma_start3A = arith.constant 0 : i32
          %dma_start3A_59 = tpu.memref_slice %arg5[%mul3A_58, %dma_start3A] : memref<320000x128xf32, #tpu.memory_space<hbm>> -> memref<128x128xf32, #tpu.memory_space<hbm>>
          %dma_start3A_60 = arith.constant 0 : i32
          %dma_start3A_61 = tpu.memref_slice %arg5[%mul3A_58, %dma_start3A_60] : memref<320000x128xf32, #tpu.memory_space<hbm>> -> memref<128x128xf32, #tpu.memory_space<hbm>>
          tpu.enqueue_dma source(%dma_start3A_61 : memref<128x128xf32, #tpu.memory_space<hbm>>) target(%arg10 : memref<128x128xf32, #tpu.memory_space<vmem>>) target_semaphore(%arg13 : memref<!tpu.dma_semaphore, #tpu.memory_space<semaphore_mem>>)
          %dma_start3A_62 = arith.constant 0 : i32
          %dma_start3A_63 = tpu.memref_slice %arg7[%scan3A_48, %dma_start3A_62] : memref<8x128xi32, #tpu.memory_space<vmem>> -> memref<1x128xi32, #tpu.memory_space<vmem>>
          %dma_start3A_64 = tpu.memref_squeeze %dma_start3A_63 : memref<1x128xi32, #tpu.memory_space<vmem>> -> memref<128xi32, #tpu.memory_space<vmem>>
          %dma_start3A_65 = arith.constant 0 : i32
          %dma_start3A_66 = arith.constant 0 : i32
          %dma_start3A_67 = tpu.memref_slice %arg2[%dma_start3A_65, %dma_start3A_66] : memref<10000x128xf32, #tpu.memory_space<hbm>> -> memref<10000x128xf32, #tpu.memory_space<hbm>>
          tpu.enqueue_indirect_dma source(%dma_start3A_67 : memref<10000x128xf32, #tpu.memory_space<hbm>>) target(%arg9 : memref<128x128xf32, #tpu.memory_space<vmem>>) offsets(%dma_start3A_64 : memref<128xi32, #tpu.memory_space<vmem>>) semaphore(%arg12 : memref<!tpu.dma_semaphore, #tpu.memory_space<semaphore_mem>>)
          %dma_wait3A = arith.constant 0 : i32
          %dma_wait3A_68 = tpu.memref_slice %arg5[%mul3A_58, %dma_wait3A] : memref<320000x128xf32, #tpu.memory_space<hbm>> -> memref<128x128xf32, #tpu.memory_space<hbm>>
          %dma_wait3A_69 = arith.constant 0 : i32
          %dma_wait3A_70 = tpu.memref_slice %arg5[%mul3A_58, %dma_wait3A_69] : memref<320000x128xf32, #tpu.memory_space<hbm>> -> memref<128x128xf32, #tpu.memory_space<hbm>>
          tpu.wait_dma2 semaphore(%arg13 : memref<!tpu.dma_semaphore, #tpu.memory_space<semaphore_mem>>) src(%dma_wait3A_70 : memref<128x128xf32, #tpu.memory_space<hbm>>) dst(%arg10 : memref<128x128xf32, #tpu.memory_space<vmem>>)
          %dma_wait3A_71 = arith.constant 0 : i32
          %dma_wait3A_72 = tpu.memref_slice %arg7[%scan3A_48, %dma_wait3A_71] : memref<8x128xi32, #tpu.memory_space<vmem>> -> memref<1x128xi32, #tpu.memory_space<vmem>>
          %dma_wait3A_73 = tpu.memref_squeeze %dma_wait3A_72 : memref<1x128xi32, #tpu.memory_space<vmem>> -> memref<128xi32, #tpu.memory_space<vmem>>
          %dma_wait3A_74 = arith.constant 0 : i32
          %dma_wait3A_75 = arith.constant 0 : i32
          %dma_wait3A_76 = tpu.memref_slice %arg2[%dma_wait3A_74, %dma_wait3A_75] : memref<10000x128xf32, #tpu.memory_space<hbm>> -> memref<10000x128xf32, #tpu.memory_space<hbm>>
          tpu.wait_indirect_dma semaphore(%arg12 : memref<!tpu.dma_semaphore, #tpu.memory_space<semaphore_mem>>) src(%dma_wait3A_76 : memref<10000x128xf32, #tpu.memory_space<hbm>>) dst(%arg9 : memref<128x128xf32, #tpu.memory_space<vmem>>)
          %scan3A_77 = arith.constant 0 : i32
          %scan3A_78 = arith.constant 0 : i32
          %scan3A_79 = arith.constant 128 : i32
          %scan3A_80 = arith.addi %scan3A_78, %scan3A_79 : i32
          %scan3A_81 = arith.constant 1 : i32
          %scan3A_82 = scf.for %scan3A_84 = %scan3A_78 to %scan3A_80 step %scan3A_81 iter_args(%scan3A_85 = %scan3A_77) -> (i32)  : i32 {
            %get3A = arith.index_cast %scan3A_84 : i32 to index
            %get3A_86 = arith.constant 0 : index
            %get3A_87 = tpu.vector_load %arg9[%get3A, %get3A_86] {strides = array<i32>} : memref<128x128xf32, #tpu.memory_space<vmem>>, vector<1x16xf32>,
            %get3A_88 = vector.shape_cast %get3A_87 : vector<1x16xf32> to vector<16xf32>
            %get3A_89 = arith.index_cast %scan3A_84 : i32 to index
            %get3A_90 = arith.constant 0 : index
            %get3A_91 = tpu.vector_load %arg10[%get3A_89, %get3A_90] {strides = array<i32>} : memref<128x128xf32, #tpu.memory_space<vmem>>, vector<1x16xf32>,
            %get3A_92 = vector.shape_cast %get3A_91 : vector<1x16xf32> to vector<16xf32>
            %add3A_93 = arith.addf %get3A_88, %get3A_92 : vector<16xf32>
            %max3A = arith.constant 0.000000e+00 : f32
            %max3A_94 = vector.broadcast %max3A : f32 to vector<16xf32>
            %max3A_95 = arith.maximumf %add3A_93, %max3A_94 : vector<16xf32>
            %swap3A = arith.index_cast %scan3A_84 : i32 to index
            %swap3A_96 = arith.constant 0 : index
            %swap3A_97 = tpu.vector_load %arg9[%swap3A, %swap3A_96] {strides = array<i32>} : memref<128x128xf32, #tpu.memory_space<vmem>>, vector<1x16xf32>,
            %swap3A_98 = vector.shape_cast %swap3A_97 : vector<1x16xf32> to vector<16xf32>
            %swap3A_99 = vector.shape_cast %max3A_95 : vector<16xf32> to vector<1x16xf32>
            tpu.vector_store %arg9[%swap3A, %swap3A_96], %swap3A_99 {strides = array<i32>} : memref<128x128xf32, #tpu.memory_space<vmem>>, vector<1x16xf32>,
            %get3A_100 = arith.index_cast %scan3A_84 : i32 to index
            %get3A_101 = arith.constant 16 : index
            %get3A_102 = tpu.vector_load %arg9[%get3A_100, %get3A_101] {strides = array<i32>} : memref<128x128xf32, #tpu.memory_space<vmem>>, vector<1x16xf32>,
            %get3A_103 = vector.shape_cast %get3A_102 : vector<1x16xf32> to vector<16xf32>
            %get3A_104 = arith.index_cast %scan3A_84 : i32 to index
            %get3A_105 = arith.constant 16 : index
            %get3A_106 = tpu.vector_load %arg10[%get3A_104, %get3A_105] {strides = array<i32>} : memref<128x128xf32, #tpu.memory_space<vmem>>, vector<1x16xf32>,
            %get3A_107 = vector.shape_cast %get3A_106 : vector<1x16xf32> to vector<16xf32>
            %add3A_108 = arith.addf %get3A_103, %get3A_107 : vector<16xf32>
            %max3A_109 = arith.constant 0.000000e+00 : f32
            %max3A_110 = vector.broadcast %max3A_109 : f32 to vector<16xf32>
            %max3A_111 = arith.maximumf %add3A_108, %max3A_110 : vector<16xf32>
            %swap3A_112 = arith.index_cast %scan3A_84 : i32 to index
            %swap3A_113 = arith.constant 16 : index
            %swap3A_114 = tpu.vector_load %arg9[%swap3A_112, %swap3A_113] {strides = array<i32>} : memref<128x128xf32, #tpu.memory_space<vmem>>, vector<1x16xf32>,
            %swap3A_115 = vector.shape_cast %swap3A_114 : vector<1x16xf32> to vector<16xf32>
            %swap3A_116 = vector.shape_cast %max3A_111 : vector<16xf32> to vector<1x16xf32>
            tpu.vector_store %arg9[%swap3A_112, %swap3A_113], %swap3A_116 {strides = array<i32>} : memref<128x128xf32, #tpu.memory_space<vmem>>, vector<1x16xf32>,
            %get3A_117 = arith.index_cast %scan3A_84 : i32 to index
            %get3A_118 = arith.constant 32 : index
            %get3A_119 = tpu.vector_load %arg9[%get3A_117, %get3A_118] {strides = array<i32>} : memref<128x128xf32, #tpu.memory_space<vmem>>, vector<1x16xf32>,
            %get3A_120 = vector.shape_cast %get3A_119 : vector<1x16xf32> to vector<16xf32>
            %get3A_121 = arith.index_cast %scan3A_84 : i32 to index
            %get3A_122 = arith.constant 32 : index
            %get3A_123 = tpu.vector_load %arg10[%get3A_121, %get3A_122] {strides = array<i32>} : memref<128x128xf32, #tpu.memory_space<vmem>>, vector<1x16xf32>,
            %get3A_124 = vector.shape_cast %get3A_123 : vector<1x16xf32> to vector<16xf32>
            %add3A_125 = arith.addf %get3A_120, %get3A_124 : vector<16xf32>
            %max3A_126 = arith.constant 0.000000e+00 : f32
            %max3A_127 = vector.broadcast %max3A_126 : f32 to vector<16xf32>
            %max3A_128 = arith.maximumf %add3A_125, %max3A_127 : vector<16xf32>
            %swap3A_129 = arith.index_cast %scan3A_84 : i32 to index
            %swap3A_130 = arith.constant 32 : index
            %swap3A_131 = tpu.vector_load %arg9[%swap3A_129, %swap3A_130] {strides = array<i32>} : memref<128x128xf32, #tpu.memory_space<vmem>>, vector<1x16xf32>,
            %swap3A_132 = vector.shape_cast %swap3A_131 : vector<1x16xf32> to vector<16xf32>
            %swap3A_133 = vector.shape_cast %max3A_128 : vector<16xf32> to vector<1x16xf32>
            tpu.vector_store %arg9[%swap3A_129, %swap3A_130], %swap3A_133 {strides = array<i32>} : memref<128x128xf32, #tpu.memory_space<vmem>>, vector<1x16xf32>,
            %get3A_134 = arith.index_cast %scan3A_84 : i32 to index
            %get3A_135 = arith.constant 48 : index
            %get3A_136 = tpu.vector_load %arg9[%get3A_134, %get3A_135] {strides = array<i32>} : memref<128x128xf32, #tpu.memory_space<vmem>>, vector<1x16xf32>,
            %get3A_137 = vector.shape_cast %get3A_136 : vector<1x16xf32> to vector<16xf32>
            %get3A_138 = arith.index_cast %scan3A_84 : i32 to index
            %get3A_139 = arith.constant 48 : index
            %get3A_140 = tpu.vector_load %arg10[%get3A_138, %get3A_139] {strides = array<i32>} : memref<128x128xf32, #tpu.memory_space<vmem>>, vector<1x16xf32>,
            %get3A_141 = vector.shape_cast %get3A_140 : vector<1x16xf32> to vector<16xf32>
            %add3A_142 = arith.addf %get3A_137, %get3A_141 : vector<16xf32>
            %max3A_143 = arith.constant 0.000000e+00 : f32
            %max3A_144 = vector.broadcast %max3A_143 : f32 to vector<16xf32>
            %max3A_145 = arith.maximumf %add3A_142, %max3A_144 : vector<16xf32>
            %swap3A_146 = arith.index_cast %scan3A_84 : i32 to index
            %swap3A_147 = arith.constant 48 : index
            %swap3A_148 = tpu.vector_load %arg9[%swap3A_146, %swap3A_147] {strides = array<i32>} : memref<128x128xf32, #tpu.memory_space<vmem>>, vector<1x16xf32>,
            %swap3A_149 = vector.shape_cast %swap3A_148 : vector<1x16xf32> to vector<16xf32>
            %swap3A_150 = vector.shape_cast %max3A_145 : vector<16xf32> to vector<1x16xf32>
            tpu.vector_store %arg9[%swap3A_146, %swap3A_147], %swap3A_150 {strides = array<i32>} : memref<128x128xf32, #tpu.memory_space<vmem>>, vector<1x16xf32>,
            %get3A_151 = arith.index_cast %scan3A_84 : i32 to index
            %get3A_152 = arith.constant 64 : index
            %get3A_153 = tpu.vector_load %arg9[%get3A_151, %get3A_152] {strides = array<i32>} : memref<128x128xf32, #tpu.memory_space<vmem>>, vector<1x16xf32>,
            %get3A_154 = vector.shape_cast %get3A_153 : vector<1x16xf32> to vector<16xf32>
            %get3A_155 = arith.index_cast %scan3A_84 : i32 to index
            %get3A_156 = arith.constant 64 : index
            %get3A_157 = tpu.vector_load %arg10[%get3A_155, %get3A_156] {strides = array<i32>} : memref<128x128xf32, #tpu.memory_space<vmem>>, vector<1x16xf32>,
            %get3A_158 = vector.shape_cast %get3A_157 : vector<1x16xf32> to vector<16xf32>
            %add3A_159 = arith.addf %get3A_154, %get3A_158 : vector<16xf32>
            %max3A_160 = arith.constant 0.000000e+00 : f32
            %max3A_161 = vector.broadcast %max3A_160 : f32 to vector<16xf32>
            %max3A_162 = arith.maximumf %add3A_159, %max3A_161 : vector<16xf32>
            %swap3A_163 = arith.index_cast %scan3A_84 : i32 to index
            %swap3A_164 = arith.constant 64 : index
            %swap3A_165 = tpu.vector_load %arg9[%swap3A_163, %swap3A_164] {strides = array<i32>} : memref<128x128xf32, #tpu.memory_space<vmem>>, vector<1x16xf32>,
            %swap3A_166 = vector.shape_cast %swap3A_165 : vector<1x16xf32> to vector<16xf32>
            %swap3A_167 = vector.shape_cast %max3A_162 : vector<16xf32> to vector<1x16xf32>
            tpu.vector_store %arg9[%swap3A_163, %swap3A_164], %swap3A_167 {strides = array<i32>} : memref<128x128xf32, #tpu.memory_space<vmem>>, vector<1x16xf32>,
            %get3A_168 = arith.index_cast %scan3A_84 : i32 to index
            %get3A_169 = arith.constant 80 : index
            %get3A_170 = tpu.vector_load %arg9[%get3A_168, %get3A_169] {strides = array<i32>} : memref<128x128xf32, #tpu.memory_space<vmem>>, vector<1x16xf32>,
            %get3A_171 = vector.shape_cast %get3A_170 : vector<1x16xf32> to vector<16xf32>
            %get3A_172 = arith.index_cast %scan3A_84 : i32 to index
            %get3A_173 = arith.constant 80 : index
            %get3A_174 = tpu.vector_load %arg10[%get3A_172, %get3A_173] {strides = array<i32>} : memref<128x128xf32, #tpu.memory_space<vmem>>, vector<1x16xf32>,
            %get3A_175 = vector.shape_cast %get3A_174 : vector<1x16xf32> to vector<16xf32>
            %add3A_176 = arith.addf %get3A_171, %get3A_175 : vector<16xf32>
            %max3A_177 = arith.constant 0.000000e+00 : f32
            %max3A_178 = vector.broadcast %max3A_177 : f32 to vector<16xf32>
            %max3A_179 = arith.maximumf %add3A_176, %max3A_178 : vector<16xf32>
            %swap3A_180 = arith.index_cast %scan3A_84 : i32 to index
            %swap3A_181 = arith.constant 80 : index
            %swap3A_182 = tpu.vector_load %arg9[%swap3A_180, %swap3A_181] {strides = array<i32>} : memref<128x128xf32, #tpu.memory_space<vmem>>, vector<1x16xf32>,
            %swap3A_183 = vector.shape_cast %swap3A_182 : vector<1x16xf32> to vector<16xf32>
            %swap3A_184 = vector.shape_cast %max3A_179 : vector<16xf32> to vector<1x16xf32>
            tpu.vector_store %arg9[%swap3A_180, %swap3A_181], %swap3A_184 {strides = array<i32>} : memref<128x128xf32, #tpu.memory_space<vmem>>, vector<1x16xf32>,
            %get3A_185 = arith.index_cast %scan3A_84 : i32 to index
            %get3A_186 = arith.constant 96 : index
            %get3A_187 = tpu.vector_load %arg9[%get3A_185, %get3A_186] {strides = array<i32>} : memref<128x128xf32, #tpu.memory_space<vmem>>, vector<1x16xf32>,
            %get3A_188 = vector.shape_cast %get3A_187 : vector<1x16xf32> to vector<16xf32>
            %get3A_189 = arith.index_cast %scan3A_84 : i32 to index
            %get3A_190 = arith.constant 96 : index
            %get3A_191 = tpu.vector_load %arg10[%get3A_189, %get3A_190] {strides = array<i32>} : memref<128x128xf32, #tpu.memory_space<vmem>>, vector<1x16xf32>,
            %get3A_192 = vector.shape_cast %get3A_191 : vector<1x16xf32> to vector<16xf32>
            %add3A_193 = arith.addf %get3A_188, %get3A_192 : vector<16xf32>
            %max3A_194 = arith.constant 0.000000e+00 : f32
            %max3A_195 = vector.broadcast %max3A_194 : f32 to vector<16xf32>
            %max3A_196 = arith.maximumf %add3A_193, %max3A_195 : vector<16xf32>
            %swap3A_197 = arith.index_cast %scan3A_84 : i32 to index
            %swap3A_198 = arith.constant 96 : index
            %swap3A_199 = tpu.vector_load %arg9[%swap3A_197, %swap3A_198] {strides = array<i32>} : memref<128x128xf32, #tpu.memory_space<vmem>>, vector<1x16xf32>,
            %swap3A_200 = vector.shape_cast %swap3A_199 : vector<1x16xf32> to vector<16xf32>
            %swap3A_201 = vector.shape_cast %max3A_196 : vector<16xf32> to vector<1x16xf32>
            tpu.vector_store %arg9[%swap3A_197, %swap3A_198], %swap3A_201 {strides = array<i32>} : memref<128x128xf32, #tpu.memory_space<vmem>>, vector<1x16xf32>,
            %get3A_202 = arith.index_cast %scan3A_84 : i32 to index
            %get3A_203 = arith.constant 112 : index
            %get3A_204 = tpu.vector_load %arg9[%get3A_202, %get3A_203] {strides = array<i32>} : memref<128x128xf32, #tpu.memory_space<vmem>>, vector<1x16xf32>,
            %get3A_205 = vector.shape_cast %get3A_204 : vector<1x16xf32> to vector<16xf32>
            %get3A_206 = arith.index_cast %scan3A_84 : i32 to index
            %get3A_207 = arith.constant 112 : index
            %get3A_208 = tpu.vector_load %arg10[%get3A_206, %get3A_207] {strides = array<i32>} : memref<128x128xf32, #tpu.memory_space<vmem>>, vector<1x16xf32>,
            %get3A_209 = vector.shape_cast %get3A_208 : vector<1x16xf32> to vector<16xf32>
            %add3A_210 = arith.addf %get3A_205, %get3A_209 : vector<16xf32>
            %max3A_211 = arith.constant 0.000000e+00 : f32
            %max3A_212 = vector.broadcast %max3A_211 : f32 to vector<16xf32>
            %max3A_213 = arith.maximumf %add3A_210, %max3A_212 : vector<16xf32>
            %swap3A_214 = arith.index_cast %scan3A_84 : i32 to index
            %swap3A_215 = arith.constant 112 : index
            %swap3A_216 = tpu.vector_load %arg9[%swap3A_214, %swap3A_215] {strides = array<i32>} : memref<128x128xf32, #tpu.memory_space<vmem>>, vector<1x16xf32>,
            %swap3A_217 = vector.shape_cast %swap3A_216 : vector<1x16xf32> to vector<16xf32>
            %swap3A_218 = vector.shape_cast %max3A_213 : vector<16xf32> to vector<1x16xf32>
            tpu.vector_store %arg9[%swap3A_214, %swap3A_215], %swap3A_218 {strides = array<i32>} : memref<128x128xf32, #tpu.memory_space<vmem>>, vector<1x16xf32>,
            %scan3A_219 = arith.constant 0 : i32
            scf.yield %scan3A_219 : i32
          }
          %scan3A_83 = arith.constant 128 : i32
          "tpu.region"() ({
            %run_scoped3A = tpu.sem_alloc : memref<!tpu.dma_semaphore, #tpu.memory_space<semaphore_mem>>
            %dma_start3A_84 = arith.constant 0 : i32
            %dma_start3A_85 = tpu.memref_slice %arg8[%scan3A_48, %dma_start3A_84] : memref<8x128xi32, #tpu.memory_space<vmem>> -> memref<1x128xi32, #tpu.memory_space<vmem>>
            %dma_start3A_86 = tpu.memref_squeeze %dma_start3A_85 : memref<1x128xi32, #tpu.memory_space<vmem>> -> memref<128xi32, #tpu.memory_space<vmem>>
            %dma_start3A_87 = arith.constant 0 : i32
            %dma_start3A_88 = arith.constant 0 : i32
            %dma_start3A_89 = tpu.memref_slice %arg11[%dma_start3A_87, %dma_start3A_88] : memref<10000x128xf32, #tpu.memory_space<vmem_shared>> -> memref<10000x128xf32, #tpu.memory_space<vmem_shared>>
            tpu.enqueue_indirect_dma source(%arg9 : memref<128x128xf32, #tpu.memory_space<vmem>>) target(%dma_start3A_89 : memref<10000x128xf32, #tpu.memory_space<vmem_shared>>) offsets(%dma_start3A_86 : memref<128xi32, #tpu.memory_space<vmem>>) semaphore(%run_scoped3A : memref<!tpu.dma_semaphore, #tpu.memory_space<semaphore_mem>>) {add = true}
            %dma_wait3A_90 = arith.constant 0 : i32
            %dma_wait3A_91 = tpu.memref_slice %arg8[%scan3A_48, %dma_wait3A_90] : memref<8x128xi32, #tpu.memory_space<vmem>> -> memref<1x128xi32, #tpu.memory_space<vmem>>
            %dma_wait3A_92 = tpu.memref_squeeze %dma_wait3A_91 : memref<1x128xi32, #tpu.memory_space<vmem>> -> memref<128xi32, #tpu.memory_space<vmem>>
            %dma_wait3A_93 = arith.constant 0 : i32
            %dma_wait3A_94 = arith.constant 0 : i32
            %dma_wait3A_95 = tpu.memref_slice %arg11[%dma_wait3A_93, %dma_wait3A_94] : memref<10000x128xf32, #tpu.memory_space<vmem_shared>> -> memref<10000x128xf32, #tpu.memory_space<vmem_shared>>
            tpu.wait_indirect_dma semaphore(%run_scoped3A : memref<!tpu.dma_semaphore, #tpu.memory_space<semaphore_mem>>) src(%arg9 : memref<128x128xf32, #tpu.memory_space<vmem>>) dst(%dma_wait3A_95 : memref<10000x128xf32, #tpu.memory_space<vmem_shared>>)
            tpu.yield
          }) : () -> ()
        } else {
        }
        %scan3A_56 = arith.constant 0 : i32
        scf.yield %scan3A_56 : i32
      }
      %scan3A_46 = arith.constant 8 : i32
      %scan3A_47 = arith.constant 0 : i32
      scf.yield %scan3A_47 : i32
    }
    %scan3A_23 = arith.constant 10 : i32
    %barrier3A_24 = arith.constant 0 : index
    tpu.barrier barrier_id(%barrier3A_24)
    %lt3A_25 = arith.constant 15 : i32
    %lt3A_26 = arith.cmpi slt, %arg1, %lt3A_25 : i32
    %convert_element_type3A_27 = arith.extui %lt3A_26 : i1 to i32
    %cond3A_28 = arith.constant 0 : i32
    %cond3A_29 = arith.cmpi ne, %convert_element_type3A_27, %cond3A_28 : i32
    scf.if %cond3A_29 {
      "tpu.region"() ({
        %run_scoped3A = tpu.sem_alloc : memref<!tpu.dma_semaphore, #tpu.memory_space<semaphore_mem>>
        %dma_start3A = arith.constant 0 : i32
        %dma_start3A_35 = tpu.memref_slice %arg6[%arg0, %mul3A_10, %dma_start3A] : memref<2x10000x128xf32, #tpu.memory_space<hbm>> -> memref<1x640x128xf32, #tpu.memory_space<hbm>>
        %dma_start3A_36 = tpu.memref_squeeze %dma_start3A_35 : memref<1x640x128xf32, #tpu.memory_space<hbm>> -> memref<640x128xf32, #tpu.memory_space<hbm>>
        %dma_start3A_37 = arith.constant 0 : i32
        %dma_start3A_38 = tpu.memref_slice %arg11[%mul3A_10, %dma_start3A_37] : memref<10000x128xf32, #tpu.memory_space<vmem_shared>> -> memref<640x128xf32, #tpu.memory_space<vmem_shared>>
        tpu.enqueue_dma source(%dma_start3A_38 : memref<640x128xf32, #tpu.memory_space<vmem_shared>>) target(%dma_start3A_36 : memref<640x128xf32, #tpu.memory_space<hbm>>) target_semaphore(%run_scoped3A : memref<!tpu.dma_semaphore, #tpu.memory_space<semaphore_mem>>)
        %dma_wait3A = arith.constant 0 : i32
        %dma_wait3A_39 = tpu.memref_slice %arg6[%arg0, %mul3A_10, %dma_wait3A] : memref<2x10000x128xf32, #tpu.memory_space<hbm>> -> memref<1x640x128xf32, #tpu.memory_space<hbm>>
        %dma_wait3A_40 = tpu.memref_squeeze %dma_wait3A_39 : memref<1x640x128xf32, #tpu.memory_space<hbm>> -> memref<640x128xf32, #tpu.memory_space<hbm>>
        %dma_wait3A_41 = arith.constant 0 : i32
        %dma_wait3A_42 = tpu.memref_slice %arg11[%mul3A_10, %dma_wait3A_41] : memref<10000x128xf32, #tpu.memory_space<vmem_shared>> -> memref<640x128xf32, #tpu.memory_space<vmem_shared>>
        tpu.wait_dma2 semaphore(%run_scoped3A : memref<!tpu.dma_semaphore, #tpu.memory_space<semaphore_mem>>) src(%dma_wait3A_42 : memref<640x128xf32, #tpu.memory_space<vmem_shared>>) dst(%dma_wait3A_40 : memref<640x128xf32, #tpu.memory_space<hbm>>)
        tpu.yield
      }) : () -> ()
    } else {
    }
    %eq3A_30 = arith.constant 15 : i32
    %eq3A_31 = arith.cmpi eq, %arg1, %eq3A_30 : i32
    %convert_element_type3A_32 = arith.extui %eq3A_31 : i1 to i32
    %cond3A_33 = arith.constant 0 : i32
    %cond3A_34 = arith.cmpi ne, %convert_element_type3A_32, %cond3A_33 : i32
    scf.if %cond3A_34 {
      "tpu.region"() ({
        %run_scoped3A = tpu.sem_alloc : memref<!tpu.dma_semaphore, #tpu.memory_space<semaphore_mem>>
        %dma_start3A = arith.constant 9600 : i32
        %dma_start3A_35 = arith.constant 0 : i32
        %dma_start3A_36 = tpu.memref_slice %arg6[%arg0, %dma_start3A, %dma_start3A_35] : memref<2x10000x128xf32, #tpu.memory_space<hbm>> -> memref<1x400x128xf32, #tpu.memory_space<hbm>>
        %dma_start3A_37 = tpu.memref_squeeze %dma_start3A_36 : memref<1x400x128xf32, #tpu.memory_space<hbm>> -> memref<400x128xf32, #tpu.memory_space<hbm>>
        %dma_start3A_38 = arith.constant 9600 : i32
        %dma_start3A_39 = arith.constant 0 : i32
        %dma_start3A_40 = tpu.memref_slice %arg11[%dma_start3A_38, %dma_start3A_39] : memref<10000x128xf32, #tpu.memory_space<vmem_shared>> -> memref<400x128xf32, #tpu.memory_space<vmem_shared>>
        tpu.enqueue_dma source(%dma_start3A_40 : memref<400x128xf32, #tpu.memory_space<vmem_shared>>) target(%dma_start3A_37 : memref<400x128xf32, #tpu.memory_space<hbm>>) target_semaphore(%run_scoped3A : memref<!tpu.dma_semaphore, #tpu.memory_space<semaphore_mem>>)
        %dma_wait3A = arith.constant 9600 : i32
        %dma_wait3A_41 = arith.constant 0 : i32
        %dma_wait3A_42 = tpu.memref_slice %arg6[%arg0, %dma_wait3A, %dma_wait3A_41] : memref<2x10000x128xf32, #tpu.memory_space<hbm>> -> memref<1x400x128xf32, #tpu.memory_space<hbm>>
        %dma_wait3A_43 = tpu.memref_squeeze %dma_wait3A_42 : memref<1x400x128xf32, #tpu.memory_space<hbm>> -> memref<400x128xf32, #tpu.memory_space<hbm>>
        %dma_wait3A_44 = arith.constant 9600 : i32
        %dma_wait3A_45 = arith.constant 0 : i32
        %dma_wait3A_46 = tpu.memref_slice %arg11[%dma_wait3A_44, %dma_wait3A_45] : memref<10000x128xf32, #tpu.memory_space<vmem_shared>> -> memref<400x128xf32, #tpu.memory_space<vmem_shared>>
        tpu.wait_dma2 semaphore(%run_scoped3A : memref<!tpu.dma_semaphore, #tpu.memory_space<semaphore_mem>>) src(%dma_wait3A_46 : memref<400x128xf32, #tpu.memory_space<vmem_shared>>) dst(%dma_wait3A_43 : memref<400x128xf32, #tpu.memory_space<hbm>>)
        tpu.yield
      }) : () -> ()
    } else {
    }
    return
  }
}

module attributes {stable_mosaic.version = 14 : i64} {
  func.func @body(%arg0: i32, %arg1: memref<4000x16xf32, #tpu.memory_space<vmem>>, %arg2: memref<16x128xf32, #tpu.memory_space<vmem>>, %arg3: memref<16x128xf32, #tpu.memory_space<vmem>>, %arg4: memref<4000x128xf32, #tpu.memory_space<vmem>>, %arg5: memref<4000x128xf32, #tpu.memory_space<vmem>>) attributes {dimension_semantics = [#tpu.dimension_semantics<arbitrary>], iteration_bounds = array<i64: 80>, scalar_prefetch = 0 : i64, scratch_operands = 0 : i64, tpu.core_type = #tpu.core_type<tc>, window_params = [{transform_indices = @transform_0, window_bounds = array<i64: 4000, 16>}, {pipeline_mode = #tpu.pipeline_mode<synchronous>, transform_indices = @transform_1, window_bounds = array<i64: 16, 128>}, {pipeline_mode = #tpu.pipeline_mode<synchronous>, transform_indices = @transform_2, window_bounds = array<i64: 16, 128>}, {transform_indices = @transform_3, window_bounds = array<i64: 4000, 128>}, {transform_indices = @transform_4, window_bounds = array<i64: 4000, 128>}]} {
    %get3A = arith.constant 0 : index
    %get3A_0 = arith.constant 0 : index
    %get3A_1 = vector.load %arg1[%get3A, %get3A_0] : memref<4000x16xf32, #tpu.memory_space<vmem>>, vector<4000x16xf32>
    %get3A_2 = arith.constant 0 : index
    %get3A_3 = arith.constant 0 : index
    %get3A_4 = vector.load %arg2[%get3A_2, %get3A_3] : memref<16x128xf32, #tpu.memory_space<vmem>>, vector<16x128xf32>
    %dot_general3A = arith.constant dense<0.000000e+00> : vector<4000x128xf32>
    %dot_general3A_5 = tpu.matmul %get3A_1, %get3A_4, %dot_general3A {dimension_numbers = #tpu.dot_dimension_numbers<[1], [0], [0], [1], [0, 0, 1, 1], [], []>, transpose_lhs_hint = false} : vector<4000x16xf32>, vector<16x128xf32>, vector<4000x128xf32> -> vector<4000x128xf32>
    %swap3A = arith.constant 0 : index
    %swap3A_6 = arith.constant 0 : index
    %swap3A_7 = vector.load %arg4[%swap3A, %swap3A_6] : memref<4000x128xf32, #tpu.memory_space<vmem>>, vector<4000x128xf32>
    tpu.vector_store %arg4[%swap3A, %swap3A_6], %dot_general3A_5 {strides = array<i32>} : memref<4000x128xf32, #tpu.memory_space<vmem>>, vector<4000x128xf32>,
    %get3A_8 = arith.constant 0 : index
    %get3A_9 = arith.constant 0 : index
    %get3A_10 = vector.load %arg3[%get3A_8, %get3A_9] : memref<16x128xf32, #tpu.memory_space<vmem>>, vector<16x128xf32>
    %dot_general3A_11 = arith.constant dense<0.000000e+00> : vector<4000x128xf32>
    %dot_general3A_12 = tpu.matmul %get3A_1, %get3A_10, %dot_general3A_11 {dimension_numbers = #tpu.dot_dimension_numbers<[1], [0], [0], [1], [0, 0, 1, 1], [], []>, transpose_lhs_hint = false} : vector<4000x16xf32>, vector<16x128xf32>, vector<4000x128xf32> -> vector<4000x128xf32>
    %swap3A_13 = arith.constant 0 : index
    %swap3A_14 = arith.constant 0 : index
    %swap3A_15 = vector.load %arg5[%swap3A_13, %swap3A_14] : memref<4000x128xf32, #tpu.memory_space<vmem>>, vector<4000x128xf32>
    tpu.vector_store %arg5[%swap3A_13, %swap3A_14], %dot_general3A_12 {strides = array<i32>} : memref<4000x128xf32, #tpu.memory_space<vmem>>, vector<4000x128xf32>,
    return
  }
  func.func @transform_0(%arg0: i32) -> (i32, i32) {
    %c0_i32 = arith.constant 0 : i32
    %c0_i32_0 = arith.constant 0 : i32
    return %arg0, %c0_i32 : i32, i32
  }
  func.func @transform_1(%arg0: i32) -> (i32, i32) {
    %c0_i32 = arith.constant 0 : i32
    %c0_i32_0 = arith.constant 0 : i32
    %c0_i32_1 = arith.constant 0 : i32
    return %c0_i32, %c0_i32_0 : i32, i32
  }
  func.func @transform_2(%arg0: i32) -> (i32, i32) {
    %c0_i32 = arith.constant 0 : i32
    %c0_i32_0 = arith.constant 0 : i32
    %c0_i32_1 = arith.constant 0 : i32
    return %c0_i32, %c0_i32_0 : i32, i32
  }
  func.func @transform_3(%arg0: i32) -> (i32, i32) {
    %c0_i32 = arith.constant 0 : i32
    %c0_i32_0 = arith.constant 0 : i32
    return %arg0, %c0_i32 : i32, i32
  }
  func.func @transform_4(%arg0: i32) -> (i32, i32) {
    %c0_i32 = arith.constant 0 : i32
    %c0_i32_0 = arith.constant 0 : i32
    return %arg0, %c0_i32 : i32, i32
  }
}

module attributes {stable_mosaic.version = 14 : i64} {
  func.func @body(%arg0: i32, %arg1: memref<1000x128xf32, #tpu.memory_space<vmem>>, %arg2: memref<128x128xf32, #tpu.memory_space<vmem>>, %arg3: memref<1x128xf32, #tpu.memory_space<vmem>>, %arg4: memref<128x128xf32, #tpu.memory_space<vmem>>, %arg5: memref<1000x128xf32, #tpu.memory_space<vmem>>, %arg6: memref<1000x128xf32, #tpu.memory_space<vmem>>) attributes {dimension_semantics = [#tpu.dimension_semantics<arbitrary>], iteration_bounds = array<i64: 10>, scalar_prefetch = 0 : i64, scratch_operands = 0 : i64, tpu.core_type = #tpu.core_type<tc>, window_params = [{transform_indices = @transform_0, window_bounds = array<i64: 1000, 128>}, {pipeline_mode = #tpu.pipeline_mode<synchronous>, transform_indices = @transform_1, window_bounds = array<i64: 128, 128>}, {pipeline_mode = #tpu.pipeline_mode<synchronous>, transform_indices = @transform_2, window_bounds = array<i64: 1, 128>}, {pipeline_mode = #tpu.pipeline_mode<synchronous>, transform_indices = @transform_3, window_bounds = array<i64: 128, 128>}, {transform_indices = @transform_4, window_bounds = array<i64: 1000, 128>}, {transform_indices = @transform_5, window_bounds = array<i64: 1000, 128>}]} {
    %get3A = arith.constant 0 : index
    %get3A_0 = arith.constant 0 : index
    %get3A_1 = vector.load %arg1[%get3A, %get3A_0] : memref<1000x128xf32, #tpu.memory_space<vmem>>, vector<1000x128xf32>
    %get3A_2 = arith.constant 0 : index
    %get3A_3 = arith.constant 0 : index
    %get3A_4 = vector.load %arg2[%get3A_2, %get3A_3] : memref<128x128xf32, #tpu.memory_space<vmem>>, vector<128x128xf32>
    %dot_general3A = arith.constant dense<0.000000e+00> : vector<1000x128xf32>
    %dot_general3A_5 = tpu.matmul %get3A_1, %get3A_4, %dot_general3A {dimension_numbers = #tpu.dot_dimension_numbers<[1], [0], [0], [1], [0, 0, 1, 1], [], []>, transpose_lhs_hint = false} : vector<1000x128xf32>, vector<128x128xf32>, vector<1000x128xf32> -> vector<1000x128xf32>
    %get3A_6 = arith.constant 0 : index
    %get3A_7 = arith.constant 0 : index
    %get3A_8 = vector.load %arg3[%get3A_6, %get3A_7] : memref<1x128xf32, #tpu.memory_space<vmem>>, vector<1x128xf32>
    %add3A = vector.broadcast %get3A_8 : vector<1x128xf32> to vector<1000x128xf32>
    %add3A_9 = arith.addf %dot_general3A_5, %add3A : vector<1000x128xf32>
    %swap3A = arith.constant 0 : index
    %swap3A_10 = arith.constant 0 : index
    %swap3A_11 = vector.load %arg5[%swap3A, %swap3A_10] : memref<1000x128xf32, #tpu.memory_space<vmem>>, vector<1000x128xf32>
    tpu.vector_store %arg5[%swap3A, %swap3A_10], %add3A_9 {strides = array<i32>} : memref<1000x128xf32, #tpu.memory_space<vmem>>, vector<1000x128xf32>,
    %get3A_12 = arith.constant 0 : index
    %get3A_13 = arith.constant 0 : index
    %get3A_14 = vector.load %arg4[%get3A_12, %get3A_13] : memref<128x128xf32, #tpu.memory_space<vmem>>, vector<128x128xf32>
    %dot_general3A_15 = arith.constant dense<0.000000e+00> : vector<1000x128xf32>
    %dot_general3A_16 = tpu.matmul %get3A_1, %get3A_14, %dot_general3A_15 {dimension_numbers = #tpu.dot_dimension_numbers<[1], [0], [0], [1], [0, 0, 1, 1], [], []>, transpose_lhs_hint = false} : vector<1000x128xf32>, vector<128x128xf32>, vector<1000x128xf32> -> vector<1000x128xf32>
    %swap3A_17 = arith.constant 0 : index
    %swap3A_18 = arith.constant 0 : index
    %swap3A_19 = vector.load %arg6[%swap3A_17, %swap3A_18] : memref<1000x128xf32, #tpu.memory_space<vmem>>, vector<1000x128xf32>
    tpu.vector_store %arg6[%swap3A_17, %swap3A_18], %dot_general3A_16 {strides = array<i32>} : memref<1000x128xf32, #tpu.memory_space<vmem>>, vector<1000x128xf32>,
    return
  }
  func.func @transform_0(%arg0: i32) -> (i32, i32) {
    %c0_i32 = arith.constant 0 : i32
    %c0_i32_0 = arith.constant 0 : i32
    return %arg0, %c0_i32 : i32, i32
  }
  func.func @transform_1(%arg0: i32) -> (i32, i32) {
    %c0_i32 = arith.constant 0 : i32
    %c0_i32_0 = arith.constant 0 : i32
    %c0_i32_1 = arith.constant 0 : i32
    return %c0_i32, %c0_i32_0 : i32, i32
  }
  func.func @transform_2(%arg0: i32) -> (i32, i32) {
    %c0_i32 = arith.constant 0 : i32
    %c0_i32_0 = arith.constant 0 : i32
    %c0_i32_1 = arith.constant 0 : i32
    return %c0_i32, %c0_i32_0 : i32, i32
  }
  func.func @transform_3(%arg0: i32) -> (i32, i32) {
    %c0_i32 = arith.constant 0 : i32
    %c0_i32_0 = arith.constant 0 : i32
    %c0_i32_1 = arith.constant 0 : i32
    return %c0_i32, %c0_i32_0 : i32, i32
  }
  func.func @transform_4(%arg0: i32) -> (i32, i32) {
    %c0_i32 = arith.constant 0 : i32
    %c0_i32_0 = arith.constant 0 : i32
    return %arg0, %c0_i32 : i32, i32
  }
  func.func @transform_5(%arg0: i32) -> (i32, i32) {
    %c0_i32 = arith.constant 0 : i32
    %c0_i32_0 = arith.constant 0 : i32
    return %arg0, %c0_i32 : i32, i32
  }
}

module attributes {stable_mosaic.version = 14 : i64} {
  func.func @body(%arg0: i32, %arg1: memref<1000x128xf32, #tpu.memory_space<vmem>>, %arg2: memref<1000x128xf32, #tpu.memory_space<vmem>>, %arg3: memref<1000x128xf32, #tpu.memory_space<vmem>>, %arg4: memref<128x128xf32, #tpu.memory_space<vmem>>, %arg5: memref<1x128xf32, #tpu.memory_space<vmem>>, %arg6: memref<128x128xf32, #tpu.memory_space<vmem>>, %arg7: memref<1x128xf32, #tpu.memory_space<vmem>>, %arg8: memref<128x128xf32, #tpu.memory_space<vmem>>, %arg9: memref<1000x128xf32, #tpu.memory_space<vmem>>, %arg10: memref<1000x128xf32, #tpu.memory_space<vmem>>) attributes {dimension_semantics = [#tpu.dimension_semantics<arbitrary>], iteration_bounds = array<i64: 10>, scalar_prefetch = 0 : i64, scratch_operands = 0 : i64, tpu.core_type = #tpu.core_type<tc>, window_params = [{transform_indices = @transform_0, window_bounds = array<i64: 1000, 128>}, {transform_indices = @transform_1, window_bounds = array<i64: 1000, 128>}, {transform_indices = @transform_2, window_bounds = array<i64: 1000, 128>}, {pipeline_mode = #tpu.pipeline_mode<synchronous>, transform_indices = @transform_3, window_bounds = array<i64: 128, 128>}, {pipeline_mode = #tpu.pipeline_mode<synchronous>, transform_indices = @transform_4, window_bounds = array<i64: 1, 128>}, {pipeline_mode = #tpu.pipeline_mode<synchronous>, transform_indices = @transform_5, window_bounds = array<i64: 128, 128>}, {pipeline_mode = #tpu.pipeline_mode<synchronous>, transform_indices = @transform_6, window_bounds = array<i64: 1, 128>}, {pipeline_mode = #tpu.pipeline_mode<synchronous>, transform_indices = @transform_7, window_bounds = array<i64: 128, 128>}, {transform_indices = @transform_8, window_bounds = array<i64: 1000, 128>}, {transform_indices = @transform_9, window_bounds = array<i64: 1000, 128>}]} {
    %get3A = arith.constant 0 : index
    %get3A_0 = arith.constant 0 : index
    %get3A_1 = vector.load %arg2[%get3A, %get3A_0] : memref<1000x128xf32, #tpu.memory_space<vmem>>, vector<1000x128xf32>
    %get3A_2 = arith.constant 0 : index
    %get3A_3 = arith.constant 0 : index
    %get3A_4 = vector.load %arg3[%get3A_2, %get3A_3] : memref<1000x128xf32, #tpu.memory_space<vmem>>, vector<1000x128xf32>
    %add3A = arith.addf %get3A_1, %get3A_4 : vector<1000x128xf32>
    %get3A_5 = arith.constant 0 : index
    %get3A_6 = arith.constant 0 : index
    %get3A_7 = vector.load %arg1[%get3A_5, %get3A_6] : memref<1000x128xf32, #tpu.memory_space<vmem>>, vector<1000x128xf32>
    %get3A_8 = arith.constant 0 : index
    %get3A_9 = arith.constant 0 : index
    %get3A_10 = vector.load %arg4[%get3A_8, %get3A_9] : memref<128x128xf32, #tpu.memory_space<vmem>>, vector<128x128xf32>
    %dot_general3A = arith.constant dense<0.000000e+00> : vector<1000x128xf32>
    %dot_general3A_11 = tpu.matmul %add3A, %get3A_10, %dot_general3A {dimension_numbers = #tpu.dot_dimension_numbers<[1], [0], [0], [1], [0, 0, 1, 1], [], []>, transpose_lhs_hint = false} : vector<1000x128xf32>, vector<128x128xf32>, vector<1000x128xf32> -> vector<1000x128xf32>
    %add3A_12 = arith.addf %get3A_7, %dot_general3A_11 : vector<1000x128xf32>
    %get3A_13 = arith.constant 0 : index
    %get3A_14 = arith.constant 0 : index
    %get3A_15 = vector.load %arg5[%get3A_13, %get3A_14] : memref<1x128xf32, #tpu.memory_space<vmem>>, vector<1x128xf32>
    %add3A_16 = vector.broadcast %get3A_15 : vector<1x128xf32> to vector<1000x128xf32>
    %add3A_17 = arith.addf %add3A_12, %add3A_16 : vector<1000x128xf32>
    %max3A = arith.constant 0.000000e+00 : f32
    %max3A_18 = vector.broadcast %max3A : f32 to vector<1000x128xf32>
    %max3A_19 = arith.maximumf %add3A_17, %max3A_18 : vector<1000x128xf32>
    %get3A_20 = arith.constant 0 : index
    %get3A_21 = arith.constant 0 : index
    %get3A_22 = vector.load %arg6[%get3A_20, %get3A_21] : memref<128x128xf32, #tpu.memory_space<vmem>>, vector<128x128xf32>
    %dot_general3A_23 = arith.constant dense<0.000000e+00> : vector<1000x128xf32>
    %dot_general3A_24 = tpu.matmul %max3A_19, %get3A_22, %dot_general3A_23 {dimension_numbers = #tpu.dot_dimension_numbers<[1], [0], [0], [1], [0, 0, 1, 1], [], []>, transpose_lhs_hint = false} : vector<1000x128xf32>, vector<128x128xf32>, vector<1000x128xf32> -> vector<1000x128xf32>
    %get3A_25 = arith.constant 0 : index
    %get3A_26 = arith.constant 0 : index
    %get3A_27 = vector.load %arg7[%get3A_25, %get3A_26] : memref<1x128xf32, #tpu.memory_space<vmem>>, vector<1x128xf32>
    %add3A_28 = vector.broadcast %get3A_27 : vector<1x128xf32> to vector<1000x128xf32>
    %add3A_29 = arith.addf %dot_general3A_24, %add3A_28 : vector<1000x128xf32>
    %swap3A = arith.constant 0 : index
    %swap3A_30 = arith.constant 0 : index
    %swap3A_31 = vector.load %arg9[%swap3A, %swap3A_30] : memref<1000x128xf32, #tpu.memory_space<vmem>>, vector<1000x128xf32>
    tpu.vector_store %arg9[%swap3A, %swap3A_30], %add3A_29 {strides = array<i32>} : memref<1000x128xf32, #tpu.memory_space<vmem>>, vector<1000x128xf32>,
    %get3A_32 = arith.constant 0 : index
    %get3A_33 = arith.constant 0 : index
    %get3A_34 = vector.load %arg8[%get3A_32, %get3A_33] : memref<128x128xf32, #tpu.memory_space<vmem>>, vector<128x128xf32>
    %dot_general3A_35 = arith.constant dense<0.000000e+00> : vector<1000x128xf32>
    %dot_general3A_36 = tpu.matmul %max3A_19, %get3A_34, %dot_general3A_35 {dimension_numbers = #tpu.dot_dimension_numbers<[1], [0], [0], [1], [0, 0, 1, 1], [], []>, transpose_lhs_hint = false} : vector<1000x128xf32>, vector<128x128xf32>, vector<1000x128xf32> -> vector<1000x128xf32>
    %swap3A_37 = arith.constant 0 : index
    %swap3A_38 = arith.constant 0 : index
    %swap3A_39 = vector.load %arg10[%swap3A_37, %swap3A_38] : memref<1000x128xf32, #tpu.memory_space<vmem>>, vector<1000x128xf32>
    tpu.vector_store %arg10[%swap3A_37, %swap3A_38], %dot_general3A_36 {strides = array<i32>} : memref<1000x128xf32, #tpu.memory_space<vmem>>, vector<1000x128xf32>,
    return
  }
  func.func @transform_0(%arg0: i32) -> (i32, i32) {
    %c0_i32 = arith.constant 0 : i32
    %c0_i32_0 = arith.constant 0 : i32
    return %arg0, %c0_i32 : i32, i32
  }
  func.func @transform_1(%arg0: i32) -> (i32, i32) {
    %c0_i32 = arith.constant 0 : i32
    %c0_i32_0 = arith.constant 0 : i32
    return %arg0, %c0_i32 : i32, i32
  }
  func.func @transform_2(%arg0: i32) -> (i32, i32) {
    %c0_i32 = arith.constant 0 : i32
    %c0_i32_0 = arith.constant 0 : i32
    return %arg0, %c0_i32 : i32, i32
  }
  func.func @transform_3(%arg0: i32) -> (i32, i32) {
    %c0_i32 = arith.constant 0 : i32
    %c0_i32_0 = arith.constant 0 : i32
    %c0_i32_1 = arith.constant 0 : i32
    return %c0_i32, %c0_i32_0 : i32, i32
  }
  func.func @transform_4(%arg0: i32) -> (i32, i32) {
    %c0_i32 = arith.constant 0 : i32
    %c0_i32_0 = arith.constant 0 : i32
    %c0_i32_1 = arith.constant 0 : i32
    return %c0_i32, %c0_i32_0 : i32, i32
  }
  func.func @transform_5(%arg0: i32) -> (i32, i32) {
    %c0_i32 = arith.constant 0 : i32
    %c0_i32_0 = arith.constant 0 : i32
    %c0_i32_1 = arith.constant 0 : i32
    return %c0_i32, %c0_i32_0 : i32, i32
  }
  func.func @transform_6(%arg0: i32) -> (i32, i32) {
    %c0_i32 = arith.constant 0 : i32
    %c0_i32_0 = arith.constant 0 : i32
    %c0_i32_1 = arith.constant 0 : i32
    return %c0_i32, %c0_i32_0 : i32, i32
  }
  func.func @transform_7(%arg0: i32) -> (i32, i32) {
    %c0_i32 = arith.constant 0 : i32
    %c0_i32_0 = arith.constant 0 : i32
    %c0_i32_1 = arith.constant 0 : i32
    return %c0_i32, %c0_i32_0 : i32, i32
  }
  func.func @transform_8(%arg0: i32) -> (i32, i32) {
    %c0_i32 = arith.constant 0 : i32
    %c0_i32_0 = arith.constant 0 : i32
    return %arg0, %c0_i32 : i32, i32
  }
  func.func @transform_9(%arg0: i32) -> (i32, i32) {
    %c0_i32 = arith.constant 0 : i32
    %c0_i32_0 = arith.constant 0 : i32
    return %arg0, %c0_i32 : i32, i32
  }
}

module attributes {stable_mosaic.version = 14 : i64} {
  func.func @body(%arg0: i32, %arg1: memref<1000x128xf32, #tpu.memory_space<vmem>>, %arg2: memref<1000x128xf32, #tpu.memory_space<vmem>>, %arg3: memref<1000x128xf32, #tpu.memory_space<vmem>>, %arg4: memref<128x128xf32, #tpu.memory_space<vmem>>, %arg5: memref<1x128xf32, #tpu.memory_space<vmem>>, %arg6: memref<1000x128xf32, #tpu.memory_space<vmem>>) attributes {dimension_semantics = [#tpu.dimension_semantics<arbitrary>], iteration_bounds = array<i64: 10>, scalar_prefetch = 0 : i64, scratch_operands = 0 : i64, tpu.core_type = #tpu.core_type<tc>, window_params = [{transform_indices = @transform_0, window_bounds = array<i64: 1000, 128>}, {transform_indices = @transform_1, window_bounds = array<i64: 1000, 128>}, {transform_indices = @transform_2, window_bounds = array<i64: 1000, 128>}, {pipeline_mode = #tpu.pipeline_mode<synchronous>, transform_indices = @transform_3, window_bounds = array<i64: 128, 128>}, {pipeline_mode = #tpu.pipeline_mode<synchronous>, transform_indices = @transform_4, window_bounds = array<i64: 1, 128>}, {transform_indices = @transform_5, window_bounds = array<i64: 1000, 128>}]} {
    %get3A = arith.constant 0 : index
    %get3A_0 = arith.constant 0 : index
    %get3A_1 = vector.load %arg2[%get3A, %get3A_0] : memref<1000x128xf32, #tpu.memory_space<vmem>>, vector<1000x128xf32>
    %get3A_2 = arith.constant 0 : index
    %get3A_3 = arith.constant 0 : index
    %get3A_4 = vector.load %arg3[%get3A_2, %get3A_3] : memref<1000x128xf32, #tpu.memory_space<vmem>>, vector<1000x128xf32>
    %add3A = arith.addf %get3A_1, %get3A_4 : vector<1000x128xf32>
    %get3A_5 = arith.constant 0 : index
    %get3A_6 = arith.constant 0 : index
    %get3A_7 = vector.load %arg1[%get3A_5, %get3A_6] : memref<1000x128xf32, #tpu.memory_space<vmem>>, vector<1000x128xf32>
    %get3A_8 = arith.constant 0 : index
    %get3A_9 = arith.constant 0 : index
    %get3A_10 = vector.load %arg4[%get3A_8, %get3A_9] : memref<128x128xf32, #tpu.memory_space<vmem>>, vector<128x128xf32>
    %dot_general3A = arith.constant dense<0.000000e+00> : vector<1000x128xf32>
    %dot_general3A_11 = tpu.matmul %add3A, %get3A_10, %dot_general3A {dimension_numbers = #tpu.dot_dimension_numbers<[1], [0], [0], [1], [0, 0, 1, 1], [], []>, transpose_lhs_hint = false} : vector<1000x128xf32>, vector<128x128xf32>, vector<1000x128xf32> -> vector<1000x128xf32>
    %add3A_12 = arith.addf %get3A_7, %dot_general3A_11 : vector<1000x128xf32>
    %get3A_13 = arith.constant 0 : index
    %get3A_14 = arith.constant 0 : index
    %get3A_15 = vector.load %arg5[%get3A_13, %get3A_14] : memref<1x128xf32, #tpu.memory_space<vmem>>, vector<1x128xf32>
    %add3A_16 = vector.broadcast %get3A_15 : vector<1x128xf32> to vector<1000x128xf32>
    %add3A_17 = arith.addf %add3A_12, %add3A_16 : vector<1000x128xf32>
    %max3A = arith.constant 0.000000e+00 : f32
    %max3A_18 = vector.broadcast %max3A : f32 to vector<1000x128xf32>
    %max3A_19 = arith.maximumf %add3A_17, %max3A_18 : vector<1000x128xf32>
    %swap3A = arith.constant 0 : index
    %swap3A_20 = arith.constant 0 : index
    %swap3A_21 = vector.load %arg6[%swap3A, %swap3A_20] : memref<1000x128xf32, #tpu.memory_space<vmem>>, vector<1000x128xf32>
    tpu.vector_store %arg6[%swap3A, %swap3A_20], %max3A_19 {strides = array<i32>} : memref<1000x128xf32, #tpu.memory_space<vmem>>, vector<1000x128xf32>,
    return
  }
  func.func @transform_0(%arg0: i32) -> (i32, i32) {
    %c0_i32 = arith.constant 0 : i32
    %c0_i32_0 = arith.constant 0 : i32
    return %arg0, %c0_i32 : i32, i32
  }
  func.func @transform_1(%arg0: i32) -> (i32, i32) {
    %c0_i32 = arith.constant 0 : i32
    %c0_i32_0 = arith.constant 0 : i32
    return %arg0, %c0_i32 : i32, i32
  }
  func.func @transform_2(%arg0: i32) -> (i32, i32) {
    %c0_i32 = arith.constant 0 : i32
    %c0_i32_0 = arith.constant 0 : i32
    return %arg0, %c0_i32 : i32, i32
  }
  func.func @transform_3(%arg0: i32) -> (i32, i32) {
    %c0_i32 = arith.constant 0 : i32
    %c0_i32_0 = arith.constant 0 : i32
    %c0_i32_1 = arith.constant 0 : i32
    return %c0_i32, %c0_i32_0 : i32, i32
  }
  func.func @transform_4(%arg0: i32) -> (i32, i32) {
    %c0_i32 = arith.constant 0 : i32
    %c0_i32_0 = arith.constant 0 : i32
    %c0_i32_1 = arith.constant 0 : i32
    return %c0_i32, %c0_i32_0 : i32, i32
  }
  func.func @transform_5(%arg0: i32) -> (i32, i32) {
    %c0_i32 = arith.constant 0 : i32
    %c0_i32_0 = arith.constant 0 : i32
    return %arg0, %c0_i32 : i32, i32
  }
}

</mosaic_0001>

<sc_bundles>
// kernel: kernel.11.cloned.1.call-start
scs
__scs_entry_jumppad:
0x0: {  	(pc) =	sbr.rel $0x88, $3  }
0x1: {  	(tag) =	ssettag $0x0;
	lr =	simm.s32 $0x1  }
0x2: {  	[smem:$0x3F96] =	sst lr;
	_ =	strace $0xD0000000  }
0x3: {  	_ = 	snop  }
0x4: {  	_ = 	snop  }
0x5: {  	_ = 	snop  }
0x6: {  	_ = 	snop  }
0x7: {  	_ = 	snop  }
__scs_overlays_trampoline_lowered:
0x8: {  	[smem:$0x3FA5] =	sst s0  }
0x9: {  	[smem:$0x3FA6] =	sst s1  }
0xa: {  	[smem:$0x3FA7] =	sst s2  }
0xb: {  	[smem:$0x3FA8] =	sst s3  }
0xc: {  	[smem:$0x3FA9] =	sst s4  }
0xd: {  	[smem:$0x3FAA] =	sst s5  }
0xe: {  	[smem:$0x3FAB] =	sst s6  }
0xf: {  	[smem:$0x3FAC] =	sst s7  }
0x10: {  	[smem:$0x3FAD] =	sst s8  }
0x11: {  	[smem:$0x3FAE] =	sst s9;
	s0 =	simm.s32 @!p0 $0x0  }
0x12: {  	s1 =	sld [smem:$0x3F94];
	s0 =	simm.s32 @p0 $0x1  }
0x13: {  	[smem:$0x3FAF] =	sst s0;
	s0 =	simm.s32 @!p1 $0x0  }
0x14: {  	s2 =	sld [smem:$0x3F93];
	s0 =	simm.s32 @p1 $0x1  }
0x15: {  	[smem:$0x3FB0] =	sst s0;
	s0 =	simm.s32 @!p2 $0x0  }
0x16: {  	s3 =	sld [smem:$0x3FDB];
	s0 =	simm.s32 @p2 $0x1  }
0x17: {  	s4 =	simm.s32 $0x1BF5;
	[smem:$0x3FB2] =	sst s0  }
0x18: {  	s0 =	sld [smem:$0x3F95];
	_ =	swait.ge [sflag:s4], $0x0  }
0x19: {  	s7 =	sld [smem:$0x3F96]  }
0x1a: {  	s8 =	sadd.s32 $0xFFFFE003, lr  }
0x1b: {  	s9 =	sadd.s32 $0xFFFFFEF7, lr;
	s5 =	simm.s32 $0xFFFFFFFF;
	p2 =	slt.u32 s8, $0xFFFFF086  }
0x1c: {  	p1 =	slt.u32 s9, $0xF7A;
	s5 =	simm.s32 @!p2 $0x0  }
0x1d: {  	s5 =	simm.s32 @p1 $0x1;
	p0 =	seq.s32 s7, s2  }
0x1e: {  	s7 =	smul.u32 @!p0 $0xF7A, s2;
	p2 =	seq.s32 @!p0 s5, $0x0  }
0x1f: {  	s9 =	smul.u32 $0xF7A, s1;
	s8 =	simm.s32 @!p0 $0x1BF5;
	p2 =	por !p2, p0  }
0x20: {  	[sflag:s8] =	ssyncset.s32 @!p0 $0xFFFFF086;
	s6 =	sadd.s32 @!p0 s3, s7;
	s7 =	simm.s32 @!p0 $0x108  }
0x21: {  	s3 =	sadd.s32 s3, s9;
	s6 =	sadd.s32 @!p0 $0x88, s6;
	s7 =	simm.s32 @p2 $0x1082  }
0x22: {  	[simem:s7], [sflag:s8] =	dma.local @!p0 [hbm:s6], $0xF7A  }
0x23: {  	s9 =	sor.u32 $0xD0000000, s2;
	s6 =	simm.s32 $0x108;
	_ =	swait.ge @!p0 [sflag:s8], $0x0  }
0x24: {  	s3 =	sadd.s32 $0x88, s3;
	s6 =	simm.s32 @!p1 $0x1082;
	[sflag:s4] =	ssyncset.s32 $0xFFFFF086  }
0x25: {  	[simem:s6], [sflag:s4] =	dma.local [hbm:s3], $0xF7A  }
0x26: {  	[smem:$0x3F96] =	sst s1;
	(tag) =	ssettag s2;
	_ =	strace s9  }
0x27: {  	s1 =	sld [smem:$0x3FA6]  }
0x28: {  	s2 =	sld [smem:$0x3FA7]  }
0x29: {  	s4 =	sld [smem:$0x3FA9]  }
0x2a: {  	p0 =	seq.s32 s5, $0x0;
	s5 =	sld [smem:$0x3FAA]  }
0x2b: {  	s6 =	sld [smem:$0x3FAB]  }
0x2c: {  	s7 =	sld [smem:$0x3FAC]  }
0x2d: {  	s3 =	simm.s32 $0x108;
	s8 =	sld [smem:$0x3FAD]  }
0x2e: {  	s3 =	simm.s32 @!p0 $0x1082;
	s9 =	sld [smem:$0x3FAE]  }
0x2f: {  	lr =	sadd.s32 s0, s3;
	s0 =	sld [smem:$0x3FA5]  }
0x30: {  	s3 =	sld [smem:$0x3FA8]  }
0x31: {  	[smem:$0x3FB1] =	sst s10  }
0x32: {  	s10 =	sld [smem:$0x3FAF];
	_ =	sdelay $0x3  }
0x33: {  	p0 =	seq.s32 s10, $0x1;
	s10 =	sld [smem:$0x3FB1];
	_ =	sdelay $0x3  }
0x34: {  	[smem:$0x3FB1] =	sst s10  }
0x35: {  	s10 =	sld [smem:$0x3FB0];
	_ =	sdelay $0x3  }
0x36: {  	p1 =	seq.s32 s10, $0x1;
	s10 =	sld [smem:$0x3FB1];
	_ =	sdelay $0x3  }
0x37: {  	[smem:$0x3FB1] =	sst s10  }
0x38: {  	s10 =	sld [smem:$0x3FB2]  }
0x39: {  	_ = 	snop;
	(pc) =	sbr.ind lr, $3  }
0x3a: {  	_ = 	snop  }
0x3b: {  	_ = 	snop  }
0x3c: {  	p2 =	seq.s32 s10, $0x1;
	s10 =	sld [smem:$0x3FB1]  }
0x3d: {  	_ =	shalt  }
0x3e: {  	_ =	shalt  }
0x3f: {  	_ =	shalt  }
0x40: {  	_ =	shalt  }
0x41: {  	_ =	shalt  }
0x42: {  	_ =	shalt  }
0x43: {  	_ =	shalt  }
0x44: {  	_ =	shalt  }
0x45: {  	_ =	shalt  }
0x46: {  	_ =	shalt  }
0x47: {  	_ =	shalt  }
0x48: {  	_ =	shalt  }
0x49: {  	_ =	shalt  }
0x4a: {  	_ =	shalt  }
0x4b: {  	_ =	shalt  }
0x4c: {  	_ =	shalt  }
0x4d: {  	_ =	shalt  }
0x4e: {  	_ =	shalt  }
0x4f: {  	_ =	shalt  }
0x50: {  	_ =	shalt  }
0x51: {  	_ =	shalt  }
0x52: {  	_ =	shalt  }
0x53: {  	_ =	shalt  }
0x54: {  	_ =	shalt  }
0x55: {  	_ =	shalt  }
0x56: {  	_ =	shalt  }
0x57: {  	_ =	shalt  }
0x58: {  	_ =	shalt  }
0x59: {  	_ =	shalt  }
0x5a: {  	_ =	shalt  }
0x5b: {  	_ =	shalt  }
0x5c: {  	_ =	shalt  }
0x5d: {  	_ =	shalt  }
0x5e: {  	_ =	shalt  }
0x5f: {  	_ =	shalt  }
0x60: {  	_ =	shalt  }
0x61: {  	_ =	shalt  }
0x62: {  	_ =	shalt  }
0x63: {  	_ =	shalt  }
0x64: {  	_ =	shalt  }
0x65: {  	_ =	shalt  }
0x66: {  	_ =	shalt  }
0x67: {  	_ =	shalt  }
0x68: {  	_ =	shalt  }
0x69: {  	_ =	shalt  }
0x6a: {  	_ =	shalt  }
0x6b: {  	_ =	shalt  }
0x6c: {  	_ =	shalt  }
0x6d: {  	_ =	shalt  }
0x6e: {  	_ =	shalt  }
0x6f: {  	_ =	shalt  }
0x70: {  	_ =	shalt  }
0x71: {  	_ =	shalt  }
0x72: {  	_ =	shalt  }
0x73: {  	_ =	shalt  }
0x74: {  	_ =	shalt  }
0x75: {  	_ =	shalt  }
0x76: {  	_ =	shalt  }
0x77: {  	_ =	shalt  }
0x78: {  	_ =	shalt  }
0x79: {  	_ =	shalt  }
0x7a: {  	_ =	shalt  }
0x7b: {  	_ =	shalt  }
0x7c: {  	_ =	shalt  }
0x7d: {  	_ =	shalt  }
0x7e: {  	_ =	shalt  }
0x7f: {  	_ =	shalt  }
0x80: {  	_ =	shalt  }
0x81: {  	_ =	shalt  }
0x82: {  	_ =	shalt  }
0x83: {  	_ =	shalt  }
0x84: {  	_ =	shalt  }
0x85: {  	_ =	shalt  }
0x86: {  	_ =	shalt  }
0x87: {  	_ =	shalt  }
.Lfunc_end0:
.L_simem_size_0:
called_computation.1_lowered:
.L_overlay_start_0:
0x88: {  	s2 =	sld [smem:$0x3FD9]  }
0x89: {  	s3 =	sld [smem:$0x3FFE];
	_ =	sdelay $0x1  }
0x8a: {  	s1 =	srdreg.scid  }
0x8b: {  	s0 =	sand.u32 $0x1, s1  }
0x8c: {  	s16 =	sshll.u32 s0, $0xA;
	s2 =	sadd.s32 s3, s2  }
0x8d: {  	s2 =	sadd.s32 s2, s16  }
0x8e: {  	[smem:$0x3FBD] =	sst s2  }
0x8f: {  	_ = 	snop  }
0x90: {  	(tm) =	ssettm $0x1  }
0x91: {  	s17 =	sld [smem:$0x3FFB];
	_ =	sdelay $0x3  }
0x92: {  	_ =	strace s17  }
0x93: {  	s2 =	sld [smem:$0x3FFC];
	_ =	sdelay $0x3  }
0x94: {  	_ =	strace s2  }
0x95: {  	s2 =	sld [smem:$0x3FFD];
	_ =	sdelay $0x3  }
0x96: {  	_ =	strace s2  }
0x97: {  	_ =	strace $0x8FFFFFFF  }
0x98: {  	s18 =	sld [smem:$0x3FDB];
	_ =	sdelay $0x1  }
0x99: {  	s19 =	simm.s32 $_scs_section_size  }
0x9a: {  	s4 =	simm.s32 $_size__tile_overlayer_lowered;
	s5 =	simm.s32 $_tile_overlayer_lowered  }
0x9b: {  	s22 =	simm.s32 $0x1BFF;
	s21 =	sshll.u32 s5, $0x1;
	s2 =	sadd.s32 s19, s18  }
0x9c: {  	s6 =	simm.s32 $0x0;
	s20 =	sshll.u32 s4, $0x1;
	s4 =	sadd.s32 s21, s2  }
0x9d: {  	[timem:s6], [sflag:s22] =	dma.local [hbm:s4], s20  }
0x9e: {  	_ =	swait.ge [sflag:s22], s20  }
0x9f: {  	s3 =	ssub.s32 $0x0, s20;
	[sflag:s22] =	ssyncset.done $0x0  }
0xa0: {  	[sflag:s22] =	ssyncadd.s32 s3;
	_ =	sdelay $0x1  }
0xa1: {  	s23 =	simm.s32 $0x1B8B  }
0xa2: {  	_ =	swait.ge [sflag:s23], $0x1  }
0xa3: {  	[sflag:s23] =	ssyncset.done $0x0  }
0xa4: {  	s25 =	simm.s32 $0x1B8E;
	s24 =	sld [smem:$0x3FFE];
	[sflag:s23] =	ssyncadd.s32 $0xFFFFFFFF  }
0xa5: {  	s26 =	simm.s32 $execute0_lowered;
	[smem:$0x3FD2] =	sst s25  }
0xa6: {  	s4 =	sshll.u32 s26, $0x1;
	_ =	strace $0x80000049;
	[dreg:$0x1] =	wrdreg $0xFFFFFFFF  }
0xa7: {  	s28 =	simm.s32 $_size_execute0_lowered;
	s2 =	sadd.s32 s2, s4;
	[dreg:$0x0] =	wrdreg $0x0  }
0xa8: {  	s4 =	sshll.u32 s28, $0x1;
	[dreg:$0x2] =	wrdreg s2  }
0xa9: {  	[dreg:$0x3] =	wrdreg s4  }
0xaa: {  	[dreg:$0x4] =	wrdreg $0xC0  }
0xab: {  	_ =	task [dreg:s6], $0x5FFFF  }
0xac: {  	[dreg:$0x1] =	wrdreg $0xFFFFFFFF  }
0xad: {  	[dreg:$0x0] =	wrdreg $0x60  }
0xae: {  	[dreg:$0x2] =	wrdreg s24  }
0xaf: {  	[dreg:$0x3] =	wrdreg $0x88000  }
0xb0: {  	[dreg:$0x4] =	wrdreg $0x9  }
0xb1: {  	_ =	task.clear_ibuf [dreg:s6], $0x5FFFF;
	_ =	strace $0x90000049  }
0xb2: {  	s29 =	simm.s32 $0x9;
	_ =	strace $0x8000004B  }
0xb3: {  	_ =	swait.ge [sflag:s29], $0x1  }
0xb4: {  	[sflag:s29] =	ssyncadd.s32 $0xFFFFFFFF  }
0xb5: {  	_ =	strace $0x9000004B  }
0xb6: {  	_ =	sfence  }
0xb7: {  	s30 =	sld [smem:$0x0];
	_ =	sdelay $0x2  }
0xb8: {  	s31 =	sshll.u32 s1, $0xD;
	s1 =	sshrl.u32 s1, $0x2  }
0xb9: {  	s3 =	sand.u32 $0x4000, s31;
	s1 =	sadd.s32 s1, s30  }
0xba: {  	s0 =	sor.u32 s3, s0;
	s1 =	sshll.u32 s1, $0x11  }
0xbb: {  	s0 =	sor.u32 s1, s0  }
0xbc: {  	s0 =	sadd.s32 $0x8F2B, s0  }
0xbd: {  	[sflag:s0] =	ssyncadd.remote.s32 $0x1  }
0xbe: {  	_ =	sfence.sel $0xFFFF  }
0xbf: {  	[dreg:$0x0] =	wrdreg $0xFFFFFFFF;
	(pc) =	sbr.abs _section_cstart, $3  }
0xc0: {  	[dreg:$0x1] =	wrdreg $0xFFFFFFFF  }
0xc1: {  	_ =	task.clear_ibuf [dreg:s6], $0x2FFFF;
	_ =	strace $0x9FFFFFFF  }
0xc2: {  	(tm) =	ssettm $0x7FFFFFFF  }
0xc3: {  	_ =	shalt  }
tec
execute0_lowered:
.L_overlay_start_1:
0x0: {  	(tag) =	ssettag $0x1  }
0x1: {  	s0 =	rddreg [dreg:$0x0]  }
0x2: {  	s1 =	rddreg [dreg:$0x1];
	s2 =	simm.s32 $0x0;
	s3 =	srdreg.scid  }
0x3: {  	s12 =	stileid.u32;
	s21 =	simm.s32 $0x3;
	s22 =	simm.s32 $0x400  }
0x4: {  	s23 =	simm.s32 $0x4800;
	s24 =	simm.s32 $0x80;
	s25 =	simm.s32 $0x800  }
0x5: {  	s28 =	simm.s32 $0x1;
	[smem:$0x7FF] =	sst s2;
	s4 =	sadd.s32 $0x4FB400, s0  }
0x6: {  	s29 =	simm.s32 $0x0;
	s5 =	sadd.s32 $0x4F1400, s0;
	s6 =	sadd.s32 $0x4E7400, s0  }
0x7: {  	s3 =	sand.u32 $0x1, s3;
	s7 =	sadd.s32 $0x9DD400, s0;
	s9 =	smul.u32 $0x50000, s12  }
0x8: {  	s0 =	sadd.s32 $0x522600, s0;
	s31 =	smul.u32 $0x14000, s12;
	s14 =	sadd.s32 $0x12C000, s1  }
0x9: {  	s15 =	sadd.s32 $0x130000, s1;
	s16 =	sadd.s32 $0x134000, s1;
	s17 =	sadd.s32 $0x138000, s1  }
0xa: {  	p0 =	seq.s32 s12, $0xF;
	_ =	strace $0x8000004A;
	s8 =	sshll.u32 s3, $0x4  }
0xb: {  	s10 =	ssub.s32 $0x2, s3;
	s3 =	smul.u32 $0x138800, s3;
	s8 =	sor.u32 s12, s8  }
0xc: {  	s11 =	sshrl.u32 s10, $0x1;
	s9 =	sshrl.u32 s9, $0x2;
	s8 =	smul.u32 $0x50, s8  }
0xd: {  	s10 =	ssub.s32 s10, s11;
	s9 =	sadd.s32 s9, s1;
	s11 =	sadd.s32 s31, s3  }
.Ltmp0:
0xe: {  	s3 =	sshrl.u32 s3, $0x3;
	s26 =	sadd.s32 $0x4000, s9;
	(pc) =	sbr.rel .LBB2_1-.Ltmp0, $4  }
0xf: {  	s30 =	sadd.s32 $0x8000, s9;
	s13 =	sadd.s32 $0xC000, s9;
	[dreg:$0x3] =	wrdreg s26  }
0x10: {  	s11 =	sshrl.u32 s11, $0x3;
	s3 =	sadd.s32 s0, s3;
	[dreg:$0x4] =	wrdreg s30  }
0x11: {  	s20 =	smax.u32 s10, $0x1;
	[dreg:$0x5] =	wrdreg s13;
	s13 =	sadd.s32 $0x10000, s9  }
0x12: {  	v0 =	vimm.f32 $0.0e+00;
	s18 =	sadd.s32 s0, s11;
	s19 =	sadd.s32 $0x25800, s3;
	s26 =	simm.s32 $0x2  }
.LBB2_11:
0x13: {  	[bflag:$0x0] =	sbarrier.arrive $0xFFFF;
	s0 =	sshrl.u32 @p0 s14, $0x3;
	s3 =	simm.s32 @p0 $0x1FC3  }
0x14: {  	[hbm:s19], [sflag:s3] =	dma.local @p0 [spmem:s0], $0x1900  }
0x15: {  	s0 =	simm.s32 @p0 $0x3  }
0x16: {  	s2 =	sadd.s32 $0x1, s2;
	s3 =	stileid.u32;
	_ =	swait.ge @p0 [sflag:s0], $0x1900  }
0x17: {  	p1 =	sne.s32 s2, s20;
	s3 =	sshll.u32 @!p0 s3, $0x6;
	[sflag:s0] =	ssyncset.done @p0 $0x0  }
0x18: {  	[sflag:s0] =	ssyncadd.s32 @p0 $0xFFFFE700;
	s0 =	sor.u32 @!p0 $0x1C03, s3;
	s3 =	sshrl.u32 @!p0 s9, $0x3  }
0x19: {  	[hbm:s18], [sflag:s0] =	dma.local @!p0 [spmem:s3], $0x2800  }
.Ltmp1:
0x1a: {  	_ = 	snop;
	(pc) =	sbr.rel @!p1 .LBB2_12-.Ltmp1, $4  }
0x1b: {  	s0 =	simm.s32 @!p0 $0x3  }
0x1c: {  	_ =	swait.ge @!p0 [sflag:s0], $0x2800  }
0x1d: {  	[sflag:s0] =	ssyncset.done @!p0 $0x0  }
0x1e: {  	[sflag:s0] =	ssyncadd.s32 @!p0 $0xFFFFD800  }
.LBB2_1:
0x1f: {  	s0 =	simm.s32 $0x0;
	s3 =	simm.s32 $0x200  }
.LBB2_2:
0x20: {  	p1 =	sne.s32 s3, $0xFE00;
	[tilespmem:s0+$0x4870] =	vst v0  }
0x21: {  	[tilespmem:s0+$0x4800] =	vst v0  }
0x22: {  	[tilespmem:s0+$0x4810] =	vst v0  }
.Ltmp2:
0x23: {  	[tilespmem:s0+$0x4820] =	vst v0;
	(pc) =	sbr.rel @p1 .LBB2_2-.Ltmp2, $4  }
0x24: {  	[tilespmem:s0+$0x4830] =	vst v0  }
0x25: {  	[tilespmem:s0+$0x4840] =	vst v0  }
0x26: {  	[tilespmem:s0+$0x4850] =	vst v0  }
0x27: {  	[tilespmem:s0+$0x4860] =	vst v0;
	s0 =	sshra.s32 s3, $0x2;
	s3 =	sadd.s32 $0x200, s3  }
0x28: {  	[tilespmem:s0+$0x4870] =	vst v0  }
0x29: {  	[tilespmem:s0+$0x4800] =	vst v0  }
0x2a: {  	[tilespmem:s0+$0x4810] =	vst v0  }
0x2b: {  	[tilespmem:s0+$0x4820] =	vst v0  }
0x2c: {  	[tilespmem:s0+$0x4830] =	vst v0  }
0x2d: {  	[tilespmem:s0+$0x4840] =	vst v0  }
0x2e: {  	[tilespmem:s0+$0x4850] =	vst v0  }
0x2f: {  	[tilespmem:s0+$0x4860] =	vst v0;
	s0 =	simm.s32 @p0 $0x4800;
	s3 =	simm.s32 @p0 $0x3  }
0x30: {  	[spmem:s14] =	stream.linear.scatter @p0 [tilespmem:s0], [sflag:$0x3], $0x4000, $0x38;
	[tilespmem:$0x1C080] =	vst v63  }
0x31: {  	_ =	swait.ge @p0 [sflag:s3], $0x4000  }
0x32: {  	[sflag:s3] =	ssyncset.done @p0 $0x0  }
0x33: {  	[sflag:s3] =	ssyncadd.s32 @p0 $0xFFFFC000  }
0x34: {  	[spmem:s15] =	stream.linear.scatter @p0 [tilespmem:s0], [sflag:$0x3], $0x4000, $0x38;
	[tilespmem:$0x1C080] =	vst v63  }
0x35: {  	_ =	swait.ge @p0 [sflag:s3], $0x4000  }
0x36: {  	[sflag:s3] =	ssyncset.done @p0 $0x0  }
0x37: {  	[sflag:s3] =	ssyncadd.s32 @p0 $0xFFFFC000  }
0x38: {  	[spmem:s16] =	stream.linear.scatter @p0 [tilespmem:s0], [sflag:$0x3], $0x4000, $0x38;
	[tilespmem:$0x1C080] =	vst v63  }
0x39: {  	_ =	swait.ge @p0 [sflag:s3], $0x4000  }
0x3a: {  	[sflag:s3] =	ssyncset.done @p0 $0x0  }
0x3b: {  	[sflag:s3] =	ssyncadd.s32 @p0 $0xFFFFC000  }
0x3c: {  	[spmem:s17] =	stream.linear.scatter @p0 [tilespmem:s0], [sflag:$0x3], $0x800, $0x38;
	[tilespmem:$0x1C080] =	vst v63  }
0x3d: {  	_ =	swait.ge @p0 [sflag:s3], $0x800  }
0x3e: {  	[sflag:s3] =	ssyncset.done @p0 $0x0  }
0x3f: {  	s0 =	simm.s32 @!p0 $0x4800;
	[sflag:s3] =	ssyncadd.s32 @p0 $0xFFFFF800;
	s3 =	simm.s32 @!p0 $0x3  }
0x40: {  	[spmem:s9] =	stream.linear.scatter @!p0 [tilespmem:s0], [sflag:$0x3], $0x4000, $0x38;
	[tilespmem:$0x1C080] =	vst v63  }
0x41: {  	_ =	swait.ge @!p0 [sflag:s3], $0x4000  }
0x42: {  	[sflag:s3] =	ssyncset.done @!p0 $0x0  }
0x43: {  	s10 =	rddreg [dreg:$0x3];
	[sflag:s3] =	ssyncadd.s32 @!p0 $0xFFFFC000  }
0x44: {  	[spmem:s10] =	stream.linear.scatter @!p0 [tilespmem:s0], [sflag:$0x3], $0x4000, $0x38;
	[tilespmem:$0x1C080] =	vst v63  }
0x45: {  	_ =	swait.ge @!p0 [sflag:s3], $0x4000  }
0x46: {  	[sflag:s3] =	ssyncset.done @!p0 $0x0  }
0x47: {  	s10 =	rddreg [dreg:$0x4];
	[sflag:s3] =	ssyncadd.s32 @!p0 $0xFFFFC000  }
0x48: {  	[spmem:s10] =	stream.linear.scatter @!p0 [tilespmem:s0], [sflag:$0x3], $0x4000, $0x38;
	[tilespmem:$0x1C080] =	vst v63  }
0x49: {  	_ =	swait.ge @!p0 [sflag:s3], $0x4000  }
0x4a: {  	[sflag:s3] =	ssyncset.done @!p0 $0x0  }
0x4b: {  	s10 =	rddreg [dreg:$0x5];
	[sflag:s3] =	ssyncadd.s32 @!p0 $0xFFFFC000  }
0x4c: {  	[spmem:s10] =	stream.linear.scatter @!p0 [tilespmem:s0], [sflag:$0x3], $0x4000, $0x38;
	[tilespmem:$0x1C080] =	vst v63  }
0x4d: {  	_ =	swait.ge @!p0 [sflag:s3], $0x4000  }
0x4e: {  	[sflag:s3] =	ssyncset.done @!p0 $0x0  }
0x4f: {  	[sflag:s3] =	ssyncadd.s32 @!p0 $0xFFFFC000  }
0x50: {  	[spmem:s13] =	stream.linear.scatter @!p0 [tilespmem:s0], [sflag:$0x3], $0x4000, $0x38;
	[tilespmem:$0x1C080] =	vst v63  }
.Ltmp3:
0x51: {  	_ =	swait.ge @!p0 [sflag:s3], $0x4000;
	(pc) =	sbr.rel .LBB2_4-.Ltmp3, $4  }
0x52: {  	[sflag:s3] =	ssyncset.done @!p0 $0x0  }
0x53: {  	[sflag:s3] =	ssyncadd.s32 @!p0 $0xFFFFC000  }
0x54: {  	[bflag:$0x0] =	sbarrier.arrive $0xFFFF  }
0x55: {  	s30 =	simm.s32 $0x0  }
.LBB2_10:
0x56: {  	s30 =	sadd.s32 $0x1, s30  }
0x57: {  	p1 =	sne.s32 s30, $0xA  }
.Ltmp4:
0x58: {  	_ = 	snop;
	(pc) =	sbr.rel @!p1 .LBB2_11-.Ltmp4, $1  }
0x59: {  	_ =	sdelay $0x3  }
.LBB2_4:
0x5a: {  	s0 =	sshll.u32 s30, $0x3  }
0x5b: {  	s31 =	sadd.s32 s8, s0  }
0x5c: {  	s0 =	sshll.u32 s31, $0x4  }
0x5d: {  	s3 =	sadd.s32 s5, s0  }
0x5e: {  	[tilespmem:s29], [sflag:$0x3] =	stream.linear.gather [hbm4b:s3+s29], $0x400, $0x38;
	[tilespmem:$0x1C080] =	vst v63  }
0x5f: {  	_ =	swait.ge [sflag:s21], $0x400  }
0x60: {  	[sflag:s21] =	ssyncset.done $0x0  }
.Ltmp5:
0x61: {  	s0 =	sadd.s32 s6, s0;
	[sflag:s21] =	ssyncadd.s32 $0xFFFFFC00;
	(pc) =	sbr.rel .LBB2_5-.Ltmp5, $4  }
0x62: {  	[tilespmem:s22], [sflag:$0x3] =	stream.linear.gather [hbm4b:s0+s29], $0x400, $0x38;
	[tilespmem:$0x1C080] =	vst v63  }
0x63: {  	_ =	swait.ge [sflag:s21], $0x400  }
0x64: {  	[sflag:s21] =	ssyncset.done $0x0  }
0x65: {  	s0 =	simm.s32 $0x0;
	[sflag:s21] =	ssyncadd.s32 $0xFFFFFC00  }
.LBB2_8:
0x66: {  	v13 =	vmax.f32 v13, $0.0e+00;
	v6 =	vadd.f32 v6, v11;
	v63 =	vld [tilespmem:s10+$0x870]  }
0x67: {  	v12 =	vmax.f32 v12, $0.0e+00;
	v5 =	vadd.f32 v5, v10;
	[tilespmem:s10+$0x800] =	vst v13  }
0x68: {  	v4 =	vadd.f32 v4, v9;
	[tilespmem:s10+$0x810] =	vst v12;
	v6 =	vmax.f32 v6, $0.0e+00  }
0x69: {  	v3 =	vadd.f32 v3, v8;
	v5 =	vmax.f32 v5, $0.0e+00;
	[tilespmem:s10+$0x820] =	vst v6  }
0x6a: {  	v2 =	vadd.f32 v2, v7;
	v4 =	vmax.f32 v4, $0.0e+00;
	[tilespmem:s10+$0x830] =	vst v5  }
0x6b: {  	v3 =	vmax.f32 v3, $0.0e+00;
	[tilespmem:s10+$0x840] =	vst v4;
	v1 =	vadd.f32 v1, v63  }
0x6c: {  	v2 =	vmax.f32 v2, $0.0e+00;
	[tilespmem:s10+$0x850] =	vst v3  }
0x6d: {  	[tilespmem:s10+$0x860] =	vst v2;
	v1 =	vmax.f32 v1, $0.0e+00  }
0x6e: {  	s3 =	sadd.s32 $0x400, s3;
	[tilespmem:s10+$0x870] =	vst v1  }
0x6f: {  	[spmem:s1] =	stream.indirect.scatter.add.f32 [tilespmem:s25], [sflag:$0x3], $0x80, s3, s24, $0xb8;
	[tilespmem:$0x1C080] =	vst v63  }
0x70: {  	_ =	swait.ge [sflag:s21], $0x4000  }
0x71: {  	[sflag:s21] =	ssyncset.done $0x0  }
0x72: {  	[sflag:s21] =	ssyncadd.s32 $0xFFFFC000  }
.LBB2_9:
0x73: {  	s0 =	sadd.s32 $0x1, s0  }
0x74: {  	p1 =	sne.s32 s0, $0x8  }
.Ltmp6:
0x75: {  	_ = 	snop;
	(pc) =	sbr.rel @!p1 .LBB2_10-.Ltmp6, $1  }
0x76: {  	_ =	sdelay $0x3  }
.LBB2_5:
0x77: {  	s3 =	sor.u32 s31, s0  }
0x78: {  	p1 =	sgt.u32 s3, $0x9C3  }
.Ltmp7:
0x79: {  	_ = 	snop;
	(pc) =	sbr.rel @p1 .LBB2_9-.Ltmp7, $1  }
0x7a: {  	_ =	sdelay $0x3  }
0x7b: {  	s3 =	sshll.u32 s3, $0xB  }
0x7c: {  	s10 =	simm.s32 $0x0;
	s3 =	sadd.s32 s7, s3  }
0x7d: {  	[tilespmem:s23], [sflag:$0x2] =	stream.linear.gather [hbm4b:s3+s10], $0x4000, $0x38;
	[tilespmem:$0x1C080] =	vst v63  }
0x7e: {  	s3 =	sshll.u32 s0, $0x7  }
0x7f: {  	[tilespmem:s25], [sflag:$0x1] =	stream.indirect.gather [hbm4b:s4+s24], $0x80, s3, s24, $0xb8;
	[tilespmem:$0x1C080] =	vst v63  }
0x80: {  	_ =	swait.ge [sflag:s26], $0x4000  }
0x81: {  	[sflag:s26] =	ssyncset.done $0x0  }
0x82: {  	[sflag:s26] =	ssyncadd.s32 $0xFFFFC000  }
0x83: {  	_ =	swait.ge [sflag:s28], $0x4000  }
0x84: {  	[sflag:s28] =	ssyncset.done $0x0  }
0x85: {  	s10 =	simm.s32 $0x0;
	[sflag:s28] =	ssyncadd.s32 $0xFFFFC000  }
0x86: {  	v7 =	vld [tilespmem:s10+$0x4800]  }
0x87: {  	v12 =	vld [tilespmem:s10+$0x4810]  }
0x88: {  	v6 =	vld [tilespmem:s10+$0x4820]  }
0x89: {  	v5 =	vld [tilespmem:s10+$0x4830]  }
0x8a: {  	v4 =	vld [tilespmem:s10+$0x4840]  }
0x8b: {  	v3 =	vld [tilespmem:s10+$0x4850]  }
0x8c: {  	v2 =	vld [tilespmem:s10+$0x4860]  }
0x8d: {  	v1 =	vld [tilespmem:s10+$0x4870]  }
0x8e: {  	v13 =	vld [tilespmem:s10+$0x800]  }
0x8f: {  	v14 =	vld [tilespmem:s10+$0x810]  }
0x90: {  	v11 =	vld [tilespmem:s10+$0x820]  }
0x91: {  	v10 =	vld [tilespmem:s10+$0x830]  }
0x92: {  	v9 =	vld [tilespmem:s10+$0x840]  }
0x93: {  	v8 =	vld [tilespmem:s10+$0x850];
	v13 =	vadd.f32 v7, v13  }
0x94: {  	s11 =	simm.s32 $0x200;
	v12 =	vadd.f32 v12, v14;
	v7 =	vld [tilespmem:s10+$0x860]  }
.LBB2_7:
0x95: {  	s12 =	sshra.s32 s11, $0x2;
	p1 =	sne.s32 s11, $0xFE00;
	v13 =	vmax.f32 v13, $0.0e+00;
	v6 =	vadd.f32 v6, v11;
	v11 =	vld [tilespmem:s10+$0x870]  }
0x96: {  	v12 =	vmax.f32 v12, $0.0e+00;
	v5 =	vadd.f32 v5, v10;
	v14 =	vld [tilespmem:s12+$0x4800];
	[tilespmem:s10+$0x800] =	vst v13  }
0x97: {  	v4 =	vadd.f32 v4, v9;
	v15 =	vld [tilespmem:s12+$0x4810];
	[tilespmem:s10+$0x810] =	vst v12;
	v10 =	vmax.f32 v6, $0.0e+00  }
0x98: {  	v3 =	vadd.f32 v3, v8;
	v9 =	vmax.f32 v5, $0.0e+00;
	v6 =	vld [tilespmem:s12+$0x4820];
	[tilespmem:s10+$0x820] =	vst v10  }
0x99: {  	v2 =	vadd.f32 v2, v7;
	v8 =	vmax.f32 v4, $0.0e+00;
	v5 =	vld [tilespmem:s12+$0x4830];
	[tilespmem:s10+$0x830] =	vst v9  }
0x9a: {  	v7 =	vmax.f32 v3, $0.0e+00;
	v4 =	vld [tilespmem:s12+$0x4840];
	[tilespmem:s10+$0x840] =	vst v8;
	v1 =	vadd.f32 v1, v11  }
0x9b: {  	v3 =	vld [tilespmem:s12+$0x4850];
	[tilespmem:s10+$0x850] =	vst v7;
	v7 =	vmax.f32 v2, $0.0e+00  }
0x9c: {  	v2 =	vld [tilespmem:s12+$0x4860];
	[tilespmem:s10+$0x860] =	vst v7;
	v7 =	vmax.f32 v1, $0.0e+00  }
0x9d: {  	v1 =	vld [tilespmem:s12+$0x4870];
	[tilespmem:s10+$0x870] =	vst v7;
	s10 =	smov.u32 s12  }
0x9e: {  	v7 =	vld [tilespmem:s10+$0x800]  }
0x9f: {  	v12 =	vld [tilespmem:s10+$0x810]  }
.Ltmp8:
0xa0: {  	v11 =	vld [tilespmem:s10+$0x820];
	(pc) =	sbr.rel @p1 .LBB2_7-.Ltmp8, $4  }
0xa1: {  	v10 =	vld [tilespmem:s10+$0x830]  }
0xa2: {  	v9 =	vld [tilespmem:s10+$0x840]  }
0xa3: {  	v13 =	vadd.f32 v14, v7;
	v8 =	vld [tilespmem:s10+$0x850]  }
0xa4: {  	s11 =	sadd.s32 $0x200, s11;
	v12 =	vadd.f32 v15, v12;
	v7 =	vld [tilespmem:s10+$0x860]  }
.Ltmp9:
0xa5: {  	_ = 	snop;
	(pc) =	sbr.rel .LBB2_8-.Ltmp9, $1  }
0xa6: {  	_ =	sdelay $0x3  }
.LBB2_12:
0xa7: {  	_ =	sfence.sel $0x180000  }
0xa8: {  	[bflag:$0x0] =	sbarrier.arrive $0xFFFF  }
0xa9: {  	_ =	strace $0x9000004A  }
0xaa: {  	s0 =	stileid.u32;
	[bflag:$0x2] =	sbarrier.arrive $0xFFFF  }
0xab: {  	p0 =	sne.s32 s0, $0x0;
	s0 =	rddreg [dreg:$0x2]  }
0xac: {  	s0 =	sadd.s32 @!p0 $0x100000, s0  }
0xad: {  	[sflag:s0] =	ssyncadd.tile.s32 @!p0 $0x1;
	_ =	shalt  }
.Lfunc_end2:
_tile_overlayer_lowered:
.L_overlay_start_2:
0xae: {  	(tag) =	ssettag $0x2  }
0xaf: {  	s0 =	rddreg [dreg:$0x0];
	s2 =	stileid.u32  }
0xb0: {  	s1 =	rddreg [dreg:$0x1];
	p0 =	sne.s32 s2, $0x0  }
0xb1: {  	s3 =	rddreg [dreg:$0x2];
	[bflag:$0x3] =	sbarrier.arrive $0xFFFF;
	s2 =	simm.s32 @!p0 $0x1C03  }
0xb2: {  	[timem:s3], [sflag:s2] =	dma.local @!p0 [hbm:s0], s1  }
0xb3: {  	s0 =	simm.s32 @!p0 $0x3  }
0xb4: {  	_ =	swait.ge @!p0 [sflag:s0], s1  }
0xb5: {  	s1 =	ssub.s32 @!p0 $0x0, s1;
	[sflag:s0] =	ssyncset.done @!p0 $0x0  }
0xb6: {  	[sflag:s0] =	ssyncadd.s32 @!p0 s1  }
0xb7: {  	[bflag:$0x3] =	sbarrier.arrive $0xFFFF  }
0xb8: {  	_ =	shalt  }

// kernel: kernel.8.cloned.1.call-start
scs
__scs_entry_jumppad:
0x0: {  	(pc) =	sbr.rel $0x88, $3  }
0x1: {  	(tag) =	ssettag $0x0;
	lr =	simm.s32 $0x1  }
0x2: {  	[smem:$0x3F96] =	sst lr;
	_ =	strace $0xD0000000  }
0x3: {  	_ = 	snop  }
0x4: {  	_ = 	snop  }
0x5: {  	_ = 	snop  }
0x6: {  	_ = 	snop  }
0x7: {  	_ = 	snop  }
__scs_overlays_trampoline_lowered:
0x8: {  	[smem:$0x3FA5] =	sst s0  }
0x9: {  	[smem:$0x3FA6] =	sst s1  }
0xa: {  	[smem:$0x3FA7] =	sst s2  }
0xb: {  	[smem:$0x3FA8] =	sst s3  }
0xc: {  	[smem:$0x3FA9] =	sst s4  }
0xd: {  	[smem:$0x3FAA] =	sst s5  }
0xe: {  	[smem:$0x3FAB] =	sst s6  }
0xf: {  	[smem:$0x3FAC] =	sst s7  }
0x10: {  	[smem:$0x3FAD] =	sst s8  }
0x11: {  	[smem:$0x3FAE] =	sst s9;
	s0 =	simm.s32 @!p0 $0x0  }
0x12: {  	s1 =	sld [smem:$0x3F94];
	s0 =	simm.s32 @p0 $0x1  }
0x13: {  	[smem:$0x3FAF] =	sst s0;
	s0 =	simm.s32 @!p1 $0x0  }
0x14: {  	s2 =	sld [smem:$0x3F93];
	s0 =	simm.s32 @p1 $0x1  }
0x15: {  	[smem:$0x3FB0] =	sst s0;
	s0 =	simm.s32 @!p2 $0x0  }
0x16: {  	s3 =	sld [smem:$0x3FDB];
	s0 =	simm.s32 @p2 $0x1  }
0x17: {  	s4 =	simm.s32 $0x1BF5;
	[smem:$0x3FB2] =	sst s0  }
0x18: {  	s0 =	sld [smem:$0x3F95];
	_ =	swait.ge [sflag:s4], $0x0  }
0x19: {  	s7 =	sld [smem:$0x3F96]  }
0x1a: {  	s8 =	sadd.s32 $0xFFFFE003, lr  }
0x1b: {  	s9 =	sadd.s32 $0xFFFFFEF7, lr;
	s5 =	simm.s32 $0xFFFFFFFF;
	p2 =	slt.u32 s8, $0xFFFFF086  }
0x1c: {  	p1 =	slt.u32 s9, $0xF7A;
	s5 =	simm.s32 @!p2 $0x0  }
0x1d: {  	s5 =	simm.s32 @p1 $0x1;
	p0 =	seq.s32 s7, s2  }
0x1e: {  	s7 =	smul.u32 @!p0 $0xF7A, s2;
	p2 =	seq.s32 @!p0 s5, $0x0  }
0x1f: {  	s9 =	smul.u32 $0xF7A, s1;
	s8 =	simm.s32 @!p0 $0x1BF5;
	p2 =	por !p2, p0  }
0x20: {  	[sflag:s8] =	ssyncset.s32 @!p0 $0xFFFFF086;
	s6 =	sadd.s32 @!p0 s3, s7;
	s7 =	simm.s32 @!p0 $0x108  }
0x21: {  	s3 =	sadd.s32 s3, s9;
	s6 =	sadd.s32 @!p0 $0x88, s6;
	s7 =	simm.s32 @p2 $0x1082  }
0x22: {  	[simem:s7], [sflag:s8] =	dma.local @!p0 [hbm:s6], $0xF7A  }
0x23: {  	s9 =	sor.u32 $0xD0000000, s2;
	s6 =	simm.s32 $0x108;
	_ =	swait.ge @!p0 [sflag:s8], $0x0  }
0x24: {  	s3 =	sadd.s32 $0x88, s3;
	s6 =	simm.s32 @!p1 $0x1082;
	[sflag:s4] =	ssyncset.s32 $0xFFFFF086  }
0x25: {  	[simem:s6], [sflag:s4] =	dma.local [hbm:s3], $0xF7A  }
0x26: {  	[smem:$0x3F96] =	sst s1;
	(tag) =	ssettag s2;
	_ =	strace s9  }
0x27: {  	s1 =	sld [smem:$0x3FA6]  }
0x28: {  	s2 =	sld [smem:$0x3FA7]  }
0x29: {  	s4 =	sld [smem:$0x3FA9]  }
0x2a: {  	p0 =	seq.s32 s5, $0x0;
	s5 =	sld [smem:$0x3FAA]  }
0x2b: {  	s6 =	sld [smem:$0x3FAB]  }
0x2c: {  	s7 =	sld [smem:$0x3FAC]  }
0x2d: {  	s3 =	simm.s32 $0x108;
	s8 =	sld [smem:$0x3FAD]  }
0x2e: {  	s3 =	simm.s32 @!p0 $0x1082;
	s9 =	sld [smem:$0x3FAE]  }
0x2f: {  	lr =	sadd.s32 s0, s3;
	s0 =	sld [smem:$0x3FA5]  }
0x30: {  	s3 =	sld [smem:$0x3FA8]  }
0x31: {  	[smem:$0x3FB1] =	sst s10  }
0x32: {  	s10 =	sld [smem:$0x3FAF];
	_ =	sdelay $0x3  }
0x33: {  	p0 =	seq.s32 s10, $0x1;
	s10 =	sld [smem:$0x3FB1];
	_ =	sdelay $0x3  }
0x34: {  	[smem:$0x3FB1] =	sst s10  }
0x35: {  	s10 =	sld [smem:$0x3FB0];
	_ =	sdelay $0x3  }
0x36: {  	p1 =	seq.s32 s10, $0x1;
	s10 =	sld [smem:$0x3FB1];
	_ =	sdelay $0x3  }
0x37: {  	[smem:$0x3FB1] =	sst s10  }
0x38: {  	s10 =	sld [smem:$0x3FB2]  }
0x39: {  	_ = 	snop;
	(pc) =	sbr.ind lr, $3  }
0x3a: {  	_ = 	snop  }
0x3b: {  	_ = 	snop  }
0x3c: {  	p2 =	seq.s32 s10, $0x1;
	s10 =	sld [smem:$0x3FB1]  }
0x3d: {  	_ =	shalt  }
0x3e: {  	_ =	shalt  }
0x3f: {  	_ =	shalt  }
0x40: {  	_ =	shalt  }
0x41: {  	_ =	shalt  }
0x42: {  	_ =	shalt  }
0x43: {  	_ =	shalt  }
0x44: {  	_ =	shalt  }
0x45: {  	_ =	shalt  }
0x46: {  	_ =	shalt  }
0x47: {  	_ =	shalt  }
0x48: {  	_ =	shalt  }
0x49: {  	_ =	shalt  }
0x4a: {  	_ =	shalt  }
0x4b: {  	_ =	shalt  }
0x4c: {  	_ =	shalt  }
0x4d: {  	_ =	shalt  }
0x4e: {  	_ =	shalt  }
0x4f: {  	_ =	shalt  }
0x50: {  	_ =	shalt  }
0x51: {  	_ =	shalt  }
0x52: {  	_ =	shalt  }
0x53: {  	_ =	shalt  }
0x54: {  	_ =	shalt  }
0x55: {  	_ =	shalt  }
0x56: {  	_ =	shalt  }
0x57: {  	_ =	shalt  }
0x58: {  	_ =	shalt  }
0x59: {  	_ =	shalt  }
0x5a: {  	_ =	shalt  }
0x5b: {  	_ =	shalt  }
0x5c: {  	_ =	shalt  }
0x5d: {  	_ =	shalt  }
0x5e: {  	_ =	shalt  }
0x5f: {  	_ =	shalt  }
0x60: {  	_ =	shalt  }
0x61: {  	_ =	shalt  }
0x62: {  	_ =	shalt  }
0x63: {  	_ =	shalt  }
0x64: {  	_ =	shalt  }
0x65: {  	_ =	shalt  }
0x66: {  	_ =	shalt  }
0x67: {  	_ =	shalt  }
0x68: {  	_ =	shalt  }
0x69: {  	_ =	shalt  }
0x6a: {  	_ =	shalt  }
0x6b: {  	_ =	shalt  }
0x6c: {  	_ =	shalt  }
0x6d: {  	_ =	shalt  }
0x6e: {  	_ =	shalt  }
0x6f: {  	_ =	shalt  }
0x70: {  	_ =	shalt  }
0x71: {  	_ =	shalt  }
0x72: {  	_ =	shalt  }
0x73: {  	_ =	shalt  }
0x74: {  	_ =	shalt  }
0x75: {  	_ =	shalt  }
0x76: {  	_ =	shalt  }
0x77: {  	_ =	shalt  }
0x78: {  	_ =	shalt  }
0x79: {  	_ =	shalt  }
0x7a: {  	_ =	shalt  }
0x7b: {  	_ =	shalt  }
0x7c: {  	_ =	shalt  }
0x7d: {  	_ =	shalt  }
0x7e: {  	_ =	shalt  }
0x7f: {  	_ =	shalt  }
0x80: {  	_ =	shalt  }
0x81: {  	_ =	shalt  }
0x82: {  	_ =	shalt  }
0x83: {  	_ =	shalt  }
0x84: {  	_ =	shalt  }
0x85: {  	_ =	shalt  }
0x86: {  	_ =	shalt  }
0x87: {  	_ =	shalt  }
.Lfunc_end0:
.L_simem_size_0:
called_computation_lowered:
.L_overlay_start_0:
0x88: {  	s2 =	sld [smem:$0x3FD9]  }
0x89: {  	s3 =	sld [smem:$0x3FFE];
	_ =	sdelay $0x1  }
0x8a: {  	s1 =	srdreg.scid  }
0x8b: {  	s0 =	sand.u32 $0x1, s1  }
0x8c: {  	s16 =	sshll.u32 s0, $0xA;
	s2 =	sadd.s32 s3, s2  }
0x8d: {  	s2 =	sadd.s32 s2, s16  }
0x8e: {  	[smem:$0x3FBD] =	sst s2  }
0x8f: {  	_ = 	snop  }
0x90: {  	(tm) =	ssettm $0x1  }
0x91: {  	s17 =	sld [smem:$0x3FFB];
	_ =	sdelay $0x3  }
0x92: {  	_ =	strace s17  }
0x93: {  	s2 =	sld [smem:$0x3FFC];
	_ =	sdelay $0x3  }
0x94: {  	_ =	strace s2  }
0x95: {  	s2 =	sld [smem:$0x3FFD];
	_ =	sdelay $0x3  }
0x96: {  	_ =	strace s2  }
0x97: {  	_ =	strace $0x8FFFFFFF  }
0x98: {  	s18 =	sld [smem:$0x3FDB];
	_ =	sdelay $0x1  }
0x99: {  	s19 =	simm.s32 $_scs_section_size  }
0x9a: {  	s4 =	simm.s32 $_size__tile_overlayer_lowered;
	s5 =	simm.s32 $_tile_overlayer_lowered  }
0x9b: {  	s22 =	simm.s32 $0x1BFF;
	s21 =	sshll.u32 s5, $0x1;
	s2 =	sadd.s32 s19, s18  }
0x9c: {  	s6 =	simm.s32 $0x0;
	s20 =	sshll.u32 s4, $0x1;
	s4 =	sadd.s32 s21, s2  }
0x9d: {  	[timem:s6], [sflag:s22] =	dma.local [hbm:s4], s20  }
0x9e: {  	_ =	swait.ge [sflag:s22], s20  }
0x9f: {  	s3 =	ssub.s32 $0x0, s20;
	[sflag:s22] =	ssyncset.done $0x0  }
0xa0: {  	[sflag:s22] =	ssyncadd.s32 s3;
	_ =	sdelay $0x1  }
0xa1: {  	s23 =	simm.s32 $0x1B8B  }
0xa2: {  	_ =	swait.ge [sflag:s23], $0x1  }
0xa3: {  	[sflag:s23] =	ssyncset.done $0x0  }
0xa4: {  	s25 =	simm.s32 $0x1B8E;
	s24 =	sld [smem:$0x3FFE];
	[sflag:s23] =	ssyncadd.s32 $0xFFFFFFFF  }
0xa5: {  	s26 =	simm.s32 $execute0_lowered;
	[smem:$0x3FD2] =	sst s25  }
0xa6: {  	s4 =	sshll.u32 s26, $0x1;
	_ =	strace $0x80000046;
	[dreg:$0x1] =	wrdreg $0xFFFFFFFF  }
0xa7: {  	s28 =	simm.s32 $_size_execute0_lowered;
	s2 =	sadd.s32 s2, s4;
	[dreg:$0x0] =	wrdreg $0x0  }
0xa8: {  	s4 =	sshll.u32 s28, $0x1;
	[dreg:$0x2] =	wrdreg s2  }
0xa9: {  	[dreg:$0x3] =	wrdreg s4  }
0xaa: {  	[dreg:$0x4] =	wrdreg $0xC0  }
0xab: {  	_ =	task [dreg:s6], $0x5FFFF  }
0xac: {  	[dreg:$0x1] =	wrdreg $0xFFFFFFFF  }
0xad: {  	[dreg:$0x0] =	wrdreg $0x60  }
0xae: {  	[dreg:$0x2] =	wrdreg s24  }
0xaf: {  	[dreg:$0x3] =	wrdreg $0x88000  }
0xb0: {  	[dreg:$0x4] =	wrdreg $0x9  }
0xb1: {  	_ =	task.clear_ibuf [dreg:s6], $0x5FFFF;
	_ =	strace $0x90000046  }
0xb2: {  	s29 =	simm.s32 $0x9;
	_ =	strace $0x80000048  }
0xb3: {  	_ =	swait.ge [sflag:s29], $0x1  }
0xb4: {  	[sflag:s29] =	ssyncadd.s32 $0xFFFFFFFF  }
0xb5: {  	_ =	strace $0x90000048  }
0xb6: {  	_ =	sfence  }
0xb7: {  	s30 =	sld [smem:$0x0];
	_ =	sdelay $0x2  }
0xb8: {  	s31 =	sshll.u32 s1, $0xD;
	s1 =	sshrl.u32 s1, $0x2  }
0xb9: {  	s3 =	sand.u32 $0x4000, s31;
	s1 =	sadd.s32 s1, s30  }
0xba: {  	s0 =	sor.u32 s3, s0;
	s1 =	sshll.u32 s1, $0x11  }
0xbb: {  	s0 =	sor.u32 s1, s0  }
0xbc: {  	s0 =	sadd.s32 $0x8F2B, s0  }
0xbd: {  	[sflag:s0] =	ssyncadd.remote.s32 $0x1  }
0xbe: {  	_ =	sfence.sel $0xFFFF  }
0xbf: {  	[dreg:$0x0] =	wrdreg $0xFFFFFFFF;
	(pc) =	sbr.abs _section_cstart, $3  }
0xc0: {  	[dreg:$0x1] =	wrdreg $0xFFFFFFFF  }
0xc1: {  	_ =	task.clear_ibuf [dreg:s6], $0x2FFFF;
	_ =	strace $0x9FFFFFFF  }
0xc2: {  	(tm) =	ssettm $0x7FFFFFFF  }
0xc3: {  	_ =	shalt  }
tec
execute0_lowered:
.L_overlay_start_1:
0x0: {  	(tag) =	ssettag $0x1  }
0x1: {  	s0 =	rddreg [dreg:$0x0]  }
0x2: {  	s1 =	rddreg [dreg:$0x1];
	s2 =	simm.s32 $0x0;
	s3 =	srdreg.scid  }
0x3: {  	s12 =	stileid.u32;
	s21 =	simm.s32 $0x3;
	s22 =	simm.s32 $0x400  }
0x4: {  	s23 =	simm.s32 $0x4800;
	s24 =	simm.s32 $0x80;
	s25 =	simm.s32 $0x800  }
0x5: {  	s28 =	simm.s32 $0x1;
	[smem:$0x7FF] =	sst s2;
	s4 =	sadd.s32 $0x3C00, s0  }
0x6: {  	s29 =	simm.s32 $0x0;
	s5 =	sadd.s32 $0x4F1400, s0;
	s6 =	sadd.s32 $0x4E7400, s0  }
0x7: {  	s3 =	sand.u32 $0x1, s3;
	s7 =	sadd.s32 $0x4FB400, s0;
	s9 =	smul.u32 $0x50000, s12  }
0x8: {  	s0 =	sadd.s32 $0x2AE00, s0;
	s31 =	smul.u32 $0x14000, s12;
	s14 =	sadd.s32 $0x12C000, s1  }
0x9: {  	s15 =	sadd.s32 $0x130000, s1;
	s16 =	sadd.s32 $0x134000, s1;
	s17 =	sadd.s32 $0x138000, s1  }
0xa: {  	p0 =	seq.s32 s12, $0xF;
	_ =	strace $0x80000047;
	s8 =	sshll.u32 s3, $0x4  }
0xb: {  	s10 =	ssub.s32 $0x2, s3;
	s3 =	smul.u32 $0x138800, s3;
	s8 =	sor.u32 s12, s8  }
0xc: {  	s11 =	sshrl.u32 s10, $0x1;
	s9 =	sshrl.u32 s9, $0x2;
	s8 =	smul.u32 $0x50, s8  }
0xd: {  	s10 =	ssub.s32 s10, s11;
	s9 =	sadd.s32 s9, s1;
	s11 =	sadd.s32 s31, s3  }
.Ltmp0:
0xe: {  	s3 =	sshrl.u32 s3, $0x3;
	s26 =	sadd.s32 $0x4000, s9;
	(pc) =	sbr.rel .LBB2_1-.Ltmp0, $4  }
0xf: {  	s30 =	sadd.s32 $0x8000, s9;
	s13 =	sadd.s32 $0xC000, s9;
	[dreg:$0x3] =	wrdreg s26  }
0x10: {  	s11 =	sshrl.u32 s11, $0x3;
	s3 =	sadd.s32 s0, s3;
	[dreg:$0x4] =	wrdreg s30  }
0x11: {  	s20 =	smax.u32 s10, $0x1;
	[dreg:$0x5] =	wrdreg s13;
	s13 =	sadd.s32 $0x10000, s9  }
0x12: {  	v0 =	vimm.f32 $0.0e+00;
	s18 =	sadd.s32 s0, s11;
	s19 =	sadd.s32 $0x25800, s3;
	s26 =	simm.s32 $0x2  }
.LBB2_11:
0x13: {  	[bflag:$0x0] =	sbarrier.arrive $0xFFFF;
	s0 =	sshrl.u32 @p0 s14, $0x3;
	s3 =	simm.s32 @p0 $0x1FC3  }
0x14: {  	[hbm:s19], [sflag:s3] =	dma.local @p0 [spmem:s0], $0x1900  }
0x15: {  	s0 =	simm.s32 @p0 $0x3  }
0x16: {  	s2 =	sadd.s32 $0x1, s2;
	s3 =	stileid.u32;
	_ =	swait.ge @p0 [sflag:s0], $0x1900  }
0x17: {  	p1 =	sne.s32 s2, s20;
	s3 =	sshll.u32 @!p0 s3, $0x6;
	[sflag:s0] =	ssyncset.done @p0 $0x0  }
0x18: {  	[sflag:s0] =	ssyncadd.s32 @p0 $0xFFFFE700;
	s0 =	sor.u32 @!p0 $0x1C03, s3;
	s3 =	sshrl.u32 @!p0 s9, $0x3  }
0x19: {  	[hbm:s18], [sflag:s0] =	dma.local @!p0 [spmem:s3], $0x2800  }
.Ltmp1:
0x1a: {  	_ = 	snop;
	(pc) =	sbr.rel @!p1 .LBB2_12-.Ltmp1, $4  }
0x1b: {  	s0 =	simm.s32 @!p0 $0x3  }
0x1c: {  	_ =	swait.ge @!p0 [sflag:s0], $0x2800  }
0x1d: {  	[sflag:s0] =	ssyncset.done @!p0 $0x0  }
0x1e: {  	[sflag:s0] =	ssyncadd.s32 @!p0 $0xFFFFD800  }
.LBB2_1:
0x1f: {  	s0 =	simm.s32 $0x0;
	s3 =	simm.s32 $0x200  }
.LBB2_2:
0x20: {  	p1 =	sne.s32 s3, $0xFE00;
	[tilespmem:s0+$0x4870] =	vst v0  }
0x21: {  	[tilespmem:s0+$0x4800] =	vst v0  }
0x22: {  	[tilespmem:s0+$0x4810] =	vst v0  }
.Ltmp2:
0x23: {  	[tilespmem:s0+$0x4820] =	vst v0;
	(pc) =	sbr.rel @p1 .LBB2_2-.Ltmp2, $4  }
0x24: {  	[tilespmem:s0+$0x4830] =	vst v0  }
0x25: {  	[tilespmem:s0+$0x4840] =	vst v0  }
0x26: {  	[tilespmem:s0+$0x4850] =	vst v0  }
0x27: {  	[tilespmem:s0+$0x4860] =	vst v0;
	s0 =	sshra.s32 s3, $0x2;
	s3 =	sadd.s32 $0x200, s3  }
0x28: {  	[tilespmem:s0+$0x4870] =	vst v0  }
0x29: {  	[tilespmem:s0+$0x4800] =	vst v0  }
0x2a: {  	[tilespmem:s0+$0x4810] =	vst v0  }
0x2b: {  	[tilespmem:s0+$0x4820] =	vst v0  }
0x2c: {  	[tilespmem:s0+$0x4830] =	vst v0  }
0x2d: {  	[tilespmem:s0+$0x4840] =	vst v0  }
0x2e: {  	[tilespmem:s0+$0x4850] =	vst v0  }
0x2f: {  	[tilespmem:s0+$0x4860] =	vst v0;
	s0 =	simm.s32 @p0 $0x4800;
	s3 =	simm.s32 @p0 $0x3  }
0x30: {  	[spmem:s14] =	stream.linear.scatter @p0 [tilespmem:s0], [sflag:$0x3], $0x4000, $0x38;
	[tilespmem:$0x1C080] =	vst v63  }
0x31: {  	_ =	swait.ge @p0 [sflag:s3], $0x4000  }
0x32: {  	[sflag:s3] =	ssyncset.done @p0 $0x0  }
0x33: {  	[sflag:s3] =	ssyncadd.s32 @p0 $0xFFFFC000  }
0x34: {  	[spmem:s15] =	stream.linear.scatter @p0 [tilespmem:s0], [sflag:$0x3], $0x4000, $0x38;
	[tilespmem:$0x1C080] =	vst v63  }
0x35: {  	_ =	swait.ge @p0 [sflag:s3], $0x4000  }
0x36: {  	[sflag:s3] =	ssyncset.done @p0 $0x0  }
0x37: {  	[sflag:s3] =	ssyncadd.s32 @p0 $0xFFFFC000  }
0x38: {  	[spmem:s16] =	stream.linear.scatter @p0 [tilespmem:s0], [sflag:$0x3], $0x4000, $0x38;
	[tilespmem:$0x1C080] =	vst v63  }
0x39: {  	_ =	swait.ge @p0 [sflag:s3], $0x4000  }
0x3a: {  	[sflag:s3] =	ssyncset.done @p0 $0x0  }
0x3b: {  	[sflag:s3] =	ssyncadd.s32 @p0 $0xFFFFC000  }
0x3c: {  	[spmem:s17] =	stream.linear.scatter @p0 [tilespmem:s0], [sflag:$0x3], $0x800, $0x38;
	[tilespmem:$0x1C080] =	vst v63  }
0x3d: {  	_ =	swait.ge @p0 [sflag:s3], $0x800  }
0x3e: {  	[sflag:s3] =	ssyncset.done @p0 $0x0  }
0x3f: {  	s0 =	simm.s32 @!p0 $0x4800;
	[sflag:s3] =	ssyncadd.s32 @p0 $0xFFFFF800;
	s3 =	simm.s32 @!p0 $0x3  }
0x40: {  	[spmem:s9] =	stream.linear.scatter @!p0 [tilespmem:s0], [sflag:$0x3], $0x4000, $0x38;
	[tilespmem:$0x1C080] =	vst v63  }
0x41: {  	_ =	swait.ge @!p0 [sflag:s3], $0x4000  }
0x42: {  	[sflag:s3] =	ssyncset.done @!p0 $0x0  }
0x43: {  	s10 =	rddreg [dreg:$0x3];
	[sflag:s3] =	ssyncadd.s32 @!p0 $0xFFFFC000  }
0x44: {  	[spmem:s10] =	stream.linear.scatter @!p0 [tilespmem:s0], [sflag:$0x3], $0x4000, $0x38;
	[tilespmem:$0x1C080] =	vst v63  }
0x45: {  	_ =	swait.ge @!p0 [sflag:s3], $0x4000  }
0x46: {  	[sflag:s3] =	ssyncset.done @!p0 $0x0  }
0x47: {  	s10 =	rddreg [dreg:$0x4];
	[sflag:s3] =	ssyncadd.s32 @!p0 $0xFFFFC000  }
0x48: {  	[spmem:s10] =	stream.linear.scatter @!p0 [tilespmem:s0], [sflag:$0x3], $0x4000, $0x38;
	[tilespmem:$0x1C080] =	vst v63  }
0x49: {  	_ =	swait.ge @!p0 [sflag:s3], $0x4000  }
0x4a: {  	[sflag:s3] =	ssyncset.done @!p0 $0x0  }
0x4b: {  	s10 =	rddreg [dreg:$0x5];
	[sflag:s3] =	ssyncadd.s32 @!p0 $0xFFFFC000  }
0x4c: {  	[spmem:s10] =	stream.linear.scatter @!p0 [tilespmem:s0], [sflag:$0x3], $0x4000, $0x38;
	[tilespmem:$0x1C080] =	vst v63  }
0x4d: {  	_ =	swait.ge @!p0 [sflag:s3], $0x4000  }
0x4e: {  	[sflag:s3] =	ssyncset.done @!p0 $0x0  }
0x4f: {  	[sflag:s3] =	ssyncadd.s32 @!p0 $0xFFFFC000  }
0x50: {  	[spmem:s13] =	stream.linear.scatter @!p0 [tilespmem:s0], [sflag:$0x3], $0x4000, $0x38;
	[tilespmem:$0x1C080] =	vst v63  }
.Ltmp3:
0x51: {  	_ =	swait.ge @!p0 [sflag:s3], $0x4000;
	(pc) =	sbr.rel .LBB2_4-.Ltmp3, $4  }
0x52: {  	[sflag:s3] =	ssyncset.done @!p0 $0x0  }
0x53: {  	[sflag:s3] =	ssyncadd.s32 @!p0 $0xFFFFC000  }
0x54: {  	[bflag:$0x0] =	sbarrier.arrive $0xFFFF  }
0x55: {  	s30 =	simm.s32 $0x0  }
.LBB2_10:
0x56: {  	s30 =	sadd.s32 $0x1, s30  }
0x57: {  	p1 =	sne.s32 s30, $0xA  }
.Ltmp4:
0x58: {  	_ = 	snop;
	(pc) =	sbr.rel @!p1 .LBB2_11-.Ltmp4, $1  }
0x59: {  	_ =	sdelay $0x3  }
.LBB2_4:
0x5a: {  	s0 =	sshll.u32 s30, $0x3  }
0x5b: {  	s31 =	sadd.s32 s8, s0  }
0x5c: {  	s0 =	sshll.u32 s31, $0x4  }
0x5d: {  	s3 =	sadd.s32 s5, s0  }
0x5e: {  	[tilespmem:s29], [sflag:$0x3] =	stream.linear.gather [hbm4b:s3+s29], $0x400, $0x38;
	[tilespmem:$0x1C080] =	vst v63  }
0x5f: {  	_ =	swait.ge [sflag:s21], $0x400  }
0x60: {  	[sflag:s21] =	ssyncset.done $0x0  }
.Ltmp5:
0x61: {  	s0 =	sadd.s32 s6, s0;
	[sflag:s21] =	ssyncadd.s32 $0xFFFFFC00;
	(pc) =	sbr.rel .LBB2_5-.Ltmp5, $4  }
0x62: {  	[tilespmem:s22], [sflag:$0x3] =	stream.linear.gather [hbm4b:s0+s29], $0x400, $0x38;
	[tilespmem:$0x1C080] =	vst v63  }
0x63: {  	_ =	swait.ge [sflag:s21], $0x400  }
0x64: {  	[sflag:s21] =	ssyncset.done $0x0  }
0x65: {  	s0 =	simm.s32 $0x0;
	[sflag:s21] =	ssyncadd.s32 $0xFFFFFC00  }
.LBB2_8:
0x66: {  	v13 =	vmax.f32 v13, $0.0e+00;
	v6 =	vadd.f32 v6, v11;
	v63 =	vld [tilespmem:s10+$0x870]  }
0x67: {  	v12 =	vmax.f32 v12, $0.0e+00;
	v5 =	vadd.f32 v5, v10;
	[tilespmem:s10+$0x800] =	vst v13  }
0x68: {  	v4 =	vadd.f32 v4, v9;
	[tilespmem:s10+$0x810] =	vst v12;
	v6 =	vmax.f32 v6, $0.0e+00  }
0x69: {  	v3 =	vadd.f32 v3, v8;
	v5 =	vmax.f32 v5, $0.0e+00;
	[tilespmem:s10+$0x820] =	vst v6  }
0x6a: {  	v2 =	vadd.f32 v2, v7;
	v4 =	vmax.f32 v4, $0.0e+00;
	[tilespmem:s10+$0x830] =	vst v5  }
0x6b: {  	v3 =	vmax.f32 v3, $0.0e+00;
	[tilespmem:s10+$0x840] =	vst v4;
	v1 =	vadd.f32 v1, v63  }
0x6c: {  	v2 =	vmax.f32 v2, $0.0e+00;
	[tilespmem:s10+$0x850] =	vst v3  }
0x6d: {  	[tilespmem:s10+$0x860] =	vst v2;
	v1 =	vmax.f32 v1, $0.0e+00  }
0x6e: {  	s3 =	sadd.s32 $0x400, s3;
	[tilespmem:s10+$0x870] =	vst v1  }
0x6f: {  	[spmem:s1] =	stream.indirect.scatter.add.f32 [tilespmem:s25], [sflag:$0x3], $0x80, s3, s24, $0xb8;
	[tilespmem:$0x1C080] =	vst v63  }
0x70: {  	_ =	swait.ge [sflag:s21], $0x4000  }
0x71: {  	[sflag:s21] =	ssyncset.done $0x0  }
0x72: {  	[sflag:s21] =	ssyncadd.s32 $0xFFFFC000  }
.LBB2_9:
0x73: {  	s0 =	sadd.s32 $0x1, s0  }
0x74: {  	p1 =	sne.s32 s0, $0x8  }
.Ltmp6:
0x75: {  	_ = 	snop;
	(pc) =	sbr.rel @!p1 .LBB2_10-.Ltmp6, $1  }
0x76: {  	_ =	sdelay $0x3  }
.LBB2_5:
0x77: {  	s3 =	sor.u32 s31, s0  }
0x78: {  	p1 =	sgt.u32 s3, $0x9C3  }
.Ltmp7:
0x79: {  	_ = 	snop;
	(pc) =	sbr.rel @p1 .LBB2_9-.Ltmp7, $1  }
0x7a: {  	_ =	sdelay $0x3  }
0x7b: {  	s3 =	sshll.u32 s3, $0xB  }
0x7c: {  	s10 =	simm.s32 $0x0;
	s3 =	sadd.s32 s7, s3  }
0x7d: {  	[tilespmem:s23], [sflag:$0x2] =	stream.linear.gather [hbm4b:s3+s10], $0x4000, $0x38;
	[tilespmem:$0x1C080] =	vst v63  }
0x7e: {  	s3 =	sshll.u32 s0, $0x7  }
0x7f: {  	[tilespmem:s25], [sflag:$0x1] =	stream.indirect.gather [hbm4b:s4+s24], $0x80, s3, s24, $0xb8;
	[tilespmem:$0x1C080] =	vst v63  }
0x80: {  	_ =	swait.ge [sflag:s26], $0x4000  }
0x81: {  	[sflag:s26] =	ssyncset.done $0x0  }
0x82: {  	[sflag:s26] =	ssyncadd.s32 $0xFFFFC000  }
0x83: {  	_ =	swait.ge [sflag:s28], $0x4000  }
0x84: {  	[sflag:s28] =	ssyncset.done $0x0  }
0x85: {  	s10 =	simm.s32 $0x0;
	[sflag:s28] =	ssyncadd.s32 $0xFFFFC000  }
0x86: {  	v7 =	vld [tilespmem:s10+$0x4800]  }
0x87: {  	v12 =	vld [tilespmem:s10+$0x4810]  }
0x88: {  	v6 =	vld [tilespmem:s10+$0x4820]  }
0x89: {  	v5 =	vld [tilespmem:s10+$0x4830]  }
0x8a: {  	v4 =	vld [tilespmem:s10+$0x4840]  }
0x8b: {  	v3 =	vld [tilespmem:s10+$0x4850]  }
0x8c: {  	v2 =	vld [tilespmem:s10+$0x4860]  }
0x8d: {  	v1 =	vld [tilespmem:s10+$0x4870]  }
0x8e: {  	v13 =	vld [tilespmem:s10+$0x800]  }
0x8f: {  	v14 =	vld [tilespmem:s10+$0x810]  }
0x90: {  	v11 =	vld [tilespmem:s10+$0x820]  }
0x91: {  	v10 =	vld [tilespmem:s10+$0x830]  }
0x92: {  	v9 =	vld [tilespmem:s10+$0x840]  }
0x93: {  	v8 =	vld [tilespmem:s10+$0x850];
	v13 =	vadd.f32 v7, v13  }
0x94: {  	s11 =	simm.s32 $0x200;
	v12 =	vadd.f32 v12, v14;
	v7 =	vld [tilespmem:s10+$0x860]  }
.LBB2_7:
0x95: {  	s12 =	sshra.s32 s11, $0x2;
	p1 =	sne.s32 s11, $0xFE00;
	v13 =	vmax.f32 v13, $0.0e+00;
	v6 =	vadd.f32 v6, v11;
	v11 =	vld [tilespmem:s10+$0x870]  }
0x96: {  	v12 =	vmax.f32 v12, $0.0e+00;
	v5 =	vadd.f32 v5, v10;
	v14 =	vld [tilespmem:s12+$0x4800];
	[tilespmem:s10+$0x800] =	vst v13  }
0x97: {  	v4 =	vadd.f32 v4, v9;
	v15 =	vld [tilespmem:s12+$0x4810];
	[tilespmem:s10+$0x810] =	vst v12;
	v10 =	vmax.f32 v6, $0.0e+00  }
0x98: {  	v3 =	vadd.f32 v3, v8;
	v9 =	vmax.f32 v5, $0.0e+00;
	v6 =	vld [tilespmem:s12+$0x4820];
	[tilespmem:s10+$0x820] =	vst v10  }
0x99: {  	v2 =	vadd.f32 v2, v7;
	v8 =	vmax.f32 v4, $0.0e+00;
	v5 =	vld [tilespmem:s12+$0x4830];
	[tilespmem:s10+$0x830] =	vst v9  }
0x9a: {  	v7 =	vmax.f32 v3, $0.0e+00;
	v4 =	vld [tilespmem:s12+$0x4840];
	[tilespmem:s10+$0x840] =	vst v8;
	v1 =	vadd.f32 v1, v11  }
0x9b: {  	v3 =	vld [tilespmem:s12+$0x4850];
	[tilespmem:s10+$0x850] =	vst v7;
	v7 =	vmax.f32 v2, $0.0e+00  }
0x9c: {  	v2 =	vld [tilespmem:s12+$0x4860];
	[tilespmem:s10+$0x860] =	vst v7;
	v7 =	vmax.f32 v1, $0.0e+00  }
0x9d: {  	v1 =	vld [tilespmem:s12+$0x4870];
	[tilespmem:s10+$0x870] =	vst v7;
	s10 =	smov.u32 s12  }
0x9e: {  	v7 =	vld [tilespmem:s10+$0x800]  }
0x9f: {  	v12 =	vld [tilespmem:s10+$0x810]  }
.Ltmp8:
0xa0: {  	v11 =	vld [tilespmem:s10+$0x820];
	(pc) =	sbr.rel @p1 .LBB2_7-.Ltmp8, $4  }
0xa1: {  	v10 =	vld [tilespmem:s10+$0x830]  }
0xa2: {  	v9 =	vld [tilespmem:s10+$0x840]  }
0xa3: {  	v13 =	vadd.f32 v14, v7;
	v8 =	vld [tilespmem:s10+$0x850]  }
0xa4: {  	s11 =	sadd.s32 $0x200, s11;
	v12 =	vadd.f32 v15, v12;
	v7 =	vld [tilespmem:s10+$0x860]  }
.Ltmp9:
0xa5: {  	_ = 	snop;
	(pc) =	sbr.rel .LBB2_8-.Ltmp9, $1  }
0xa6: {  	_ =	sdelay $0x3  }
.LBB2_12:
0xa7: {  	_ =	sfence.sel $0x180000  }
0xa8: {  	[bflag:$0x0] =	sbarrier.arrive $0xFFFF  }
0xa9: {  	_ =	strace $0x90000047  }
0xaa: {  	s0 =	stileid.u32;
	[bflag:$0x2] =	sbarrier.arrive $0xFFFF  }
0xab: {  	p0 =	sne.s32 s0, $0x0;
	s0 =	rddreg [dreg:$0x2]  }
0xac: {  	s0 =	sadd.s32 @!p0 $0x100000, s0  }
0xad: {  	[sflag:s0] =	ssyncadd.tile.s32 @!p0 $0x1;
	_ =	shalt  }
.Lfunc_end2:
_tile_overlayer_lowered:
.L_overlay_start_2:
0xae: {  	(tag) =	ssettag $0x2  }
0xaf: {  	s0 =	rddreg [dreg:$0x0];
	s2 =	stileid.u32  }
0xb0: {  	s1 =	rddreg [dreg:$0x1];
	p0 =	sne.s32 s2, $0x0  }
0xb1: {  	s3 =	rddreg [dreg:$0x2];
	[bflag:$0x3] =	sbarrier.arrive $0xFFFF;
	s2 =	simm.s32 @!p0 $0x1C03  }
0xb2: {  	[timem:s3], [sflag:s2] =	dma.local @!p0 [hbm:s0], s1  }
0xb3: {  	s0 =	simm.s32 @!p0 $0x3  }
0xb4: {  	_ =	swait.ge @!p0 [sflag:s0], s1  }
0xb5: {  	s1 =	ssub.s32 @!p0 $0x0, s1;
	[sflag:s0] =	ssyncset.done @!p0 $0x0  }
0xb6: {  	[sflag:s0] =	ssyncadd.s32 @!p0 s1  }
0xb7: {  	[bflag:$0x3] =	sbarrier.arrive $0xFFFF  }
0xb8: {  	_ =	shalt  }

</sc_bundles>
